<compile_context>
chip_gen: v7x
topology: tpu7x:2x2x1
jax: 0.10.2.dev20260603
libtpu: 0.0.44.dev20260713+nightly
codegen_flags: <defaults>
</compile_context>

<pallas_src>
import jax
import jax.numpy as jnp
from jax import lax
from jax.experimental import pallas as pl
from jax.experimental.pallas import tpu as pltpu
from jax.experimental.pallas import tpu_sc as plsc

_NUM_CORES = 2
_NUM_SUBCORES = 16
_NW = _NUM_CORES * _NUM_SUBCORES

_D = 32
_T = 16384
_S = 50
_TB = _T // _NW
_L = 16
_PAD = _TB + 17


def _gather_body(table_hbm, idx_hbm, out_hbm, idx_v, rows_v, trans_v, *sems):
    sem_i = sems[0:2]
    sem_g = sems[2:4]
    sem_o = sems[4:6]
    wid = lax.axis_index("s") * _NUM_CORES + lax.axis_index("c")
    t0 = wid * _TB

    def start_idx(s, b):
        return pltpu.async_copy(
            idx_hbm.at[s, pl.ds(t0, _TB)], idx_v.at[b], sem_i[b])

    def wait_idx(b):
        pltpu.make_async_copy(
            idx_hbm.at[0, pl.ds(t0, _TB)], idx_v.at[b], sem_i[b]).wait()

    def start_gather(b):
        return pltpu.async_copy(
            table_hbm.at[idx_v.at[b]], rows_v.at[b], sem_g[b])

    def wait_gather(b):
        pltpu.make_async_copy(
            table_hbm.at[idx_v.at[b]], rows_v.at[b], sem_g[b]).wait()

    def start_out(s, b):
        return pltpu.async_copy(
            trans_v.at[b, :, pl.ds(0, _TB)],
            out_hbm.at[s, :, pl.ds(t0, _TB)], sem_o[b])

    def wait_out(b):
        pltpu.make_async_copy(
            trans_v.at[b, :, pl.ds(0, _TB)],
            out_hbm.at[0, :, pl.ds(t0, _TB)], sem_o[b]).wait()

    lanes = lax.iota(jnp.int32, _L)
    jlo = lanes
    jhi = lanes + _L

    def transpose(b):
        def trow(t, carry):
            tcol = jnp.full((_L,), 0, jnp.int32) + t
            x0 = rows_v[b, t, pl.ds(0, _L)]
            plsc.store_scatter(trans_v.at[b], [jlo, tcol], x0)
            x1 = rows_v[b, t, pl.ds(_L, _L)]
            plsc.store_scatter(trans_v.at[b], [jhi, tcol], x1)
            return carry

        lax.fori_loop(0, _TB, trow, 0, unroll=8)

    n_pairs = _S // 2

    start_idx(0, 0).wait()
    start_gather(0)
    start_idx(1, 1)

    def pair(p, carry):
        s0 = 2 * p
        wait_idx(1)
        start_gather(1)
        wait_gather(0)

        @pl.when(p > 0)
        def _():
            wait_out(0)

        transpose(0)
        start_out(s0, 0)

        @pl.when(p < n_pairs - 1)
        def _():
            start_idx(s0 + 2, 0)

        wait_gather(1)

        @pl.when(p < n_pairs - 1)
        def _():
            wait_idx(0)
            start_gather(0)

        @pl.when(p > 0)
        def _():
            wait_out(1)

        transpose(1)
        start_out(s0 + 1, 1)

        @pl.when(p < n_pairs - 1)
        def _():
            start_idx(s0 + 3, 1)

        return carry

    lax.fori_loop(0, n_pairs, pair, 0)
    wait_out(0)
    wait_out(1)


@jax.jit
def _gather(token_ids_t, embedding):
    mesh = plsc.VectorSubcoreMesh(core_axis_name="c", subcore_axis_name="s")
    run = pl.kernel(
        _gather_body,
        out_type=jax.ShapeDtypeStruct((_S, _D, _T), jnp.float32),
        mesh=mesh,
        scratch_types=[
            pltpu.VMEM((2, _TB), jnp.int32),
            pltpu.VMEM((2, _TB, _D), jnp.float32),
            pltpu.VMEM((2, _D, _PAD), jnp.float32),
        ] + [pltpu.SemaphoreType.DMA] * 6,
        compiler_params=pltpu.CompilerParams(
            use_tc_tiling_on_sc=False, needs_layout_passes=False),
    )
    return run(embedding, token_ids_t)


def kernel(token_ids, embedding):
    out_t = _gather(token_ids.T.astype(jnp.int32), embedding)
    return out_t.transpose(2, 0, 1)

# --- scband reference (transcript-rebuilt; emitter-appended) ---
"""Pipeline reference for scband-embedding-266287972965 (READ-ONLY COPY).

The authoritative reference and input builder live on the scoring server;
editing this copy changes nothing except your own understanding.
"""

import jax, jax.numpy as jnp
import numpy as np

NUM_EMBEDDINGS = 1000000
EMBEDDING_DIM = 32

def setup_inputs(seed: int = 0) -> dict:
    key = jax.random.key(seed)
    k_idx, k_emb = jax.random.split(key)
    token_ids = jax.random.randint(k_idx, (16384, 50), 0, NUM_EMBEDDINGS, dtype=jnp.int64 if jax.config.jax_enable_x64 else jnp.int32)
    # trunc_normal init (mean=0, std=1, a=-3, b=3) approximated via truncated_normal
    embedding = jax.random.truncated_normal(k_emb, -3.0, 3.0, (NUM_EMBEDDINGS, EMBEDDING_DIM), dtype=jnp.float32)
    return {"token_ids": token_ids, "embedding": embedding}

def reference(token_ids, embedding):
    # faithful translation of: return self.embedding[token_ids]
    return jnp.take(embedding, token_ids, axis=0)

if __name__ == "__main__":
    import jax
    _d = setup_inputs()
    print(jax.jit(kernel)(*tuple(_d.values())))

</pallas_src>

<mosaic_0001>
#map = affine_map<(d0, d1) -> (0, 0)>
#map1 = affine_map<(d0, d1) -> (0, 0, 0)>
module attributes {stable_mosaic.version = 14 : i64} {
  func.func @_gather_body(%arg0: i32, %arg1: i32, %arg2: memref<1000000x32xf32, #tpu.memory_space<hbm>>, %arg3: memref<50x16384xi32, #tpu.memory_space<hbm>>, %arg4: memref<50x32x16384xf32, #tpu.memory_space<hbm>>, %arg5: memref<2x512xi32, #tpu.memory_space<vmem>>, %arg6: memref<2x512x32xf32, #tpu.memory_space<vmem>>, %arg7: memref<2x32x529xf32, #tpu.memory_space<vmem>>, %arg8: memref<!tpu.dma_semaphore, #tpu.memory_space<semaphore_mem>>, %arg9: memref<!tpu.dma_semaphore, #tpu.memory_space<semaphore_mem>>, %arg10: memref<!tpu.dma_semaphore, #tpu.memory_space<semaphore_mem>>, %arg11: memref<!tpu.dma_semaphore, #tpu.memory_space<semaphore_mem>>, %arg12: memref<!tpu.dma_semaphore, #tpu.memory_space<semaphore_mem>>, %arg13: memref<!tpu.dma_semaphore, #tpu.memory_space<semaphore_mem>>) attributes {dimension_semantics = [#tpu.dimension_semantics<core_parallel>, #tpu.dimension_semantics<subcore_parallel>], iteration_bounds = array<i64: 2, 16>, scalar_prefetch = 0 : i64, scratch_operands = 9 : i64, tpu.core_type = #tpu.core_type<sc_vector_subcore>, window_params = [{transform_indices = #map}, {transform_indices = #map}, {transform_indices = #map1}]} {
    %mul3A = arith.constant 2 : i32
    %mul3A_0 = arith.muli %arg1, %mul3A : i32
    %add3A = arith.addi %mul3A_0, %arg0 : i32
    %mul3A_1 = arith.constant 512 : i32
    %mul3A_2 = arith.muli %add3A, %mul3A_1 : i32
    %iota3A = tpu.iota {dimensions = array<i32: 0>} : vector<16xi32>
    %add3A_3 = arith.constant 16 : i32
    %add3A_4 = vector.broadcast %add3A_3 : i32 to vector<16xi32>
    %add3A_5 = arith.addi %iota3A, %add3A_4 : vector<16xi32>
    %dma_start3A = arith.constant 0 : i32
    %dma_start3A_6 = arith.constant 0 : i32
    %dma_start3A_7 = arith.constant 0 : i32
    %dma_start3A_8 = tpu.memref_slice %arg5[%dma_start3A_6, %dma_start3A_7] : memref<2x512xi32, #tpu.memory_space<vmem>> -> memref<1x512xi32, #tpu.memory_space<vmem>>
    %dma_start3A_9 = tpu.memref_squeeze %dma_start3A_8 : memref<1x512xi32, #tpu.memory_space<vmem>> -> memref<512xi32, #tpu.memory_space<vmem>>
    %dma_start3A_10 = tpu.memref_slice %arg3[%dma_start3A, %mul3A_2] : memref<50x16384xi32, #tpu.memory_space<hbm>> -> memref<1x512xi32, #tpu.memory_space<hbm>>
    %dma_start3A_11 = tpu.memref_squeeze %dma_start3A_10 : memref<1x512xi32, #tpu.memory_space<hbm>> -> memref<512xi32, #tpu.memory_space<hbm>>
    %dma_start3A_12 = arith.constant 0 : i32
    %dma_start3A_13 = tpu.memref_slice %arg5[%dma_start3A_6, %dma_start3A_12] : memref<2x512xi32, #tpu.memory_space<vmem>> -> memref<1x512xi32, #tpu.memory_space<vmem>>
    %dma_start3A_14 = tpu.memref_squeeze %dma_start3A_13 : memref<1x512xi32, #tpu.memory_space<vmem>> -> memref<512xi32, #tpu.memory_space<vmem>>
    %dma_start3A_15 = tpu.memref_slice %arg3[%dma_start3A, %mul3A_2] : memref<50x16384xi32, #tpu.memory_space<hbm>> -> memref<1x512xi32, #tpu.memory_space<hbm>>
    %dma_start3A_16 = tpu.memref_squeeze %dma_start3A_15 : memref<1x512xi32, #tpu.memory_space<hbm>> -> memref<512xi32, #tpu.memory_space<hbm>>
    tpu.enqueue_dma source(%dma_start3A_16 : memref<512xi32, #tpu.memory_space<hbm>>) target(%dma_start3A_14 : memref<512xi32, #tpu.memory_space<vmem>>) target_semaphore(%arg8 : memref<!tpu.dma_semaphore, #tpu.memory_space<semaphore_mem>>)
    %dma_wait3A = arith.constant 0 : i32
    %dma_wait3A_17 = arith.constant 0 : i32
    %dma_wait3A_18 = arith.constant 0 : i32
    %dma_wait3A_19 = tpu.memref_slice %arg5[%dma_wait3A_17, %dma_wait3A_18] : memref<2x512xi32, #tpu.memory_space<vmem>> -> memref<1x512xi32, #tpu.memory_space<vmem>>
    %dma_wait3A_20 = tpu.memref_squeeze %dma_wait3A_19 : memref<1x512xi32, #tpu.memory_space<vmem>> -> memref<512xi32, #tpu.memory_space<vmem>>
    %dma_wait3A_21 = tpu.memref_slice %arg3[%dma_wait3A, %mul3A_2] : memref<50x16384xi32, #tpu.memory_space<hbm>> -> memref<1x512xi32, #tpu.memory_space<hbm>>
    %dma_wait3A_22 = tpu.memref_squeeze %dma_wait3A_21 : memref<1x512xi32, #tpu.memory_space<hbm>> -> memref<512xi32, #tpu.memory_space<hbm>>
    %dma_wait3A_23 = arith.constant 0 : i32
    %dma_wait3A_24 = tpu.memref_slice %arg5[%dma_wait3A_17, %dma_wait3A_23] : memref<2x512xi32, #tpu.memory_space<vmem>> -> memref<1x512xi32, #tpu.memory_space<vmem>>
    %dma_wait3A_25 = tpu.memref_squeeze %dma_wait3A_24 : memref<1x512xi32, #tpu.memory_space<vmem>> -> memref<512xi32, #tpu.memory_space<vmem>>
    %dma_wait3A_26 = tpu.memref_slice %arg3[%dma_wait3A, %mul3A_2] : memref<50x16384xi32, #tpu.memory_space<hbm>> -> memref<1x512xi32, #tpu.memory_space<hbm>>
    %dma_wait3A_27 = tpu.memref_squeeze %dma_wait3A_26 : memref<1x512xi32, #tpu.memory_space<hbm>> -> memref<512xi32, #tpu.memory_space<hbm>>
    tpu.wait_dma2 semaphore(%arg8 : memref<!tpu.dma_semaphore, #tpu.memory_space<semaphore_mem>>) src(%dma_wait3A_27 : memref<512xi32, #tpu.memory_space<hbm>>) dst(%dma_wait3A_25 : memref<512xi32, #tpu.memory_space<vmem>>)
    %dma_start3A_28 = arith.constant 0 : i32
    %dma_start3A_29 = arith.constant 0 : i32
    %dma_start3A_30 = arith.constant 0 : i32
    %dma_start3A_31 = arith.constant 0 : i32
    %dma_start3A_32 = tpu.memref_slice %arg6[%dma_start3A_29, %dma_start3A_30, %dma_start3A_31] : memref<2x512x32xf32, #tpu.memory_space<vmem>> -> memref<1x512x32xf32, #tpu.memory_space<vmem>>
    %dma_start3A_33 = tpu.memref_squeeze %dma_start3A_32 : memref<1x512x32xf32, #tpu.memory_space<vmem>> -> memref<512x32xf32, #tpu.memory_space<vmem>>
    %dma_start3A_34 = arith.constant 0 : i32
    %dma_start3A_35 = tpu.memref_slice %arg5[%dma_start3A_28, %dma_start3A_34] : memref<2x512xi32, #tpu.memory_space<vmem>> -> memref<1x512xi32, #tpu.memory_space<vmem>>
    %dma_start3A_36 = tpu.memref_squeeze %dma_start3A_35 : memref<1x512xi32, #tpu.memory_space<vmem>> -> memref<512xi32, #tpu.memory_space<vmem>>
    %dma_start3A_37 = arith.constant 0 : i32
    %dma_start3A_38 = arith.constant 0 : i32
    %dma_start3A_39 = tpu.memref_slice %arg2[%dma_start3A_37, %dma_start3A_38] : memref<1000000x32xf32, #tpu.memory_space<hbm>> -> memref<1000000x32xf32, #tpu.memory_space<hbm>>
    tpu.enqueue_indirect_dma source(%dma_start3A_39 : memref<1000000x32xf32, #tpu.memory_space<hbm>>) target(%dma_start3A_33 : memref<512x32xf32, #tpu.memory_space<vmem>>) offsets(%dma_start3A_36 : memref<512xi32, #tpu.memory_space<vmem>>) semaphore(%arg10 : memref<!tpu.dma_semaphore, #tpu.memory_space<semaphore_mem>>)
    %dma_start3A_40 = arith.constant 1 : i32
    %dma_start3A_41 = arith.constant 1 : i32
    %dma_start3A_42 = arith.constant 0 : i32
    %dma_start3A_43 = tpu.memref_slice %arg5[%dma_start3A_41, %dma_start3A_42] : memref<2x512xi32, #tpu.memory_space<vmem>> -> memref<1x512xi32, #tpu.memory_space<vmem>>
    %dma_start3A_44 = tpu.memref_squeeze %dma_start3A_43 : memref<1x512xi32, #tpu.memory_space<vmem>> -> memref<512xi32, #tpu.memory_space<vmem>>
    %dma_start3A_45 = tpu.memref_slice %arg3[%dma_start3A_40, %mul3A_2] : memref<50x16384xi32, #tpu.memory_space<hbm>> -> memref<1x512xi32, #tpu.memory_space<hbm>>
    %dma_start3A_46 = tpu.memref_squeeze %dma_start3A_45 : memref<1x512xi32, #tpu.memory_space<hbm>> -> memref<512xi32, #tpu.memory_space<hbm>>
    %dma_start3A_47 = arith.constant 0 : i32
    %dma_start3A_48 = tpu.memref_slice %arg5[%dma_start3A_41, %dma_start3A_47] : memref<2x512xi32, #tpu.memory_space<vmem>> -> memref<1x512xi32, #tpu.memory_space<vmem>>
    %dma_start3A_49 = tpu.memref_squeeze %dma_start3A_48 : memref<1x512xi32, #tpu.memory_space<vmem>> -> memref<512xi32, #tpu.memory_space<vmem>>
    %dma_start3A_50 = tpu.memref_slice %arg3[%dma_start3A_40, %mul3A_2] : memref<50x16384xi32, #tpu.memory_space<hbm>> -> memref<1x512xi32, #tpu.memory_space<hbm>>
    %dma_start3A_51 = tpu.memref_squeeze %dma_start3A_50 : memref<1x512xi32, #tpu.memory_space<hbm>> -> memref<512xi32, #tpu.memory_space<hbm>>
    tpu.enqueue_dma source(%dma_start3A_51 : memref<512xi32, #tpu.memory_space<hbm>>) target(%dma_start3A_49 : memref<512xi32, #tpu.memory_space<vmem>>) target_semaphore(%arg9 : memref<!tpu.dma_semaphore, #tpu.memory_space<semaphore_mem>>)
    %scan3A = arith.constant 0 : i32
    %scan3A_52 = arith.constant 0 : i32
    %scan3A_53 = arith.constant 25 : i32
    %scan3A_54 = arith.addi %scan3A_52, %scan3A_53 : i32
    %scan3A_55 = arith.constant 1 : i32
    scf.for %scan3A_89 = %scan3A_52 to %scan3A_54 step %scan3A_55  : i32 {
      %mul3A_90 = arith.constant 2 : i32
      %mul3A_91 = arith.muli %mul3A_90, %scan3A_89 : i32
      %dma_wait3A_92 = arith.constant 0 : i32
      %dma_wait3A_93 = arith.constant 1 : i32
      %dma_wait3A_94 = arith.constant 0 : i32
      %dma_wait3A_95 = tpu.memref_slice %arg5[%dma_wait3A_93, %dma_wait3A_94] : memref<2x512xi32, #tpu.memory_space<vmem>> -> memref<1x512xi32, #tpu.memory_space<vmem>>
      %dma_wait3A_96 = tpu.memref_squeeze %dma_wait3A_95 : memref<1x512xi32, #tpu.memory_space<vmem>> -> memref<512xi32, #tpu.memory_space<vmem>>
      %dma_wait3A_97 = tpu.memref_slice %arg3[%dma_wait3A_92, %mul3A_2] : memref<50x16384xi32, #tpu.memory_space<hbm>> -> memref<1x512xi32, #tpu.memory_space<hbm>>
      %dma_wait3A_98 = tpu.memref_squeeze %dma_wait3A_97 : memref<1x512xi32, #tpu.memory_space<hbm>> -> memref<512xi32, #tpu.memory_space<hbm>>
      %dma_wait3A_99 = arith.constant 0 : i32
      %dma_wait3A_100 = tpu.memref_slice %arg5[%dma_wait3A_93, %dma_wait3A_99] : memref<2x512xi32, #tpu.memory_space<vmem>> -> memref<1x512xi32, #tpu.memory_space<vmem>>
      %dma_wait3A_101 = tpu.memref_squeeze %dma_wait3A_100 : memref<1x512xi32, #tpu.memory_space<vmem>> -> memref<512xi32, #tpu.memory_space<vmem>>
      %dma_wait3A_102 = tpu.memref_slice %arg3[%dma_wait3A_92, %mul3A_2] : memref<50x16384xi32, #tpu.memory_space<hbm>> -> memref<1x512xi32, #tpu.memory_space<hbm>>
      %dma_wait3A_103 = tpu.memref_squeeze %dma_wait3A_102 : memref<1x512xi32, #tpu.memory_space<hbm>> -> memref<512xi32, #tpu.memory_space<hbm>>
      tpu.wait_dma2 semaphore(%arg9 : memref<!tpu.dma_semaphore, #tpu.memory_space<semaphore_mem>>) src(%dma_wait3A_103 : memref<512xi32, #tpu.memory_space<hbm>>) dst(%dma_wait3A_101 : memref<512xi32, #tpu.memory_space<vmem>>)
      %dma_start3A_104 = arith.constant 1 : i32
      %dma_start3A_105 = arith.constant 1 : i32
      %dma_start3A_106 = arith.constant 0 : i32
      %dma_start3A_107 = arith.constant 0 : i32
      %dma_start3A_108 = tpu.memref_slice %arg6[%dma_start3A_105, %dma_start3A_106, %dma_start3A_107] : memref<2x512x32xf32, #tpu.memory_space<vmem>> -> memref<1x512x32xf32, #tpu.memory_space<vmem>>
      %dma_start3A_109 = tpu.memref_squeeze %dma_start3A_108 : memref<1x512x32xf32, #tpu.memory_space<vmem>> -> memref<512x32xf32, #tpu.memory_space<vmem>>
      %dma_start3A_110 = arith.constant 0 : i32
      %dma_start3A_111 = tpu.memref_slice %arg5[%dma_start3A_104, %dma_start3A_110] : memref<2x512xi32, #tpu.memory_space<vmem>> -> memref<1x512xi32, #tpu.memory_space<vmem>>
      %dma_start3A_112 = tpu.memref_squeeze %dma_start3A_111 : memref<1x512xi32, #tpu.memory_space<vmem>> -> memref<512xi32, #tpu.memory_space<vmem>>
      %dma_start3A_113 = arith.constant 0 : i32
      %dma_start3A_114 = arith.constant 0 : i32
      %dma_start3A_115 = tpu.memref_slice %arg2[%dma_start3A_113, %dma_start3A_114] : memref<1000000x32xf32, #tpu.memory_space<hbm>> -> memref<1000000x32xf32, #tpu.memory_space<hbm>>
      tpu.enqueue_indirect_dma source(%dma_start3A_115 : memref<1000000x32xf32, #tpu.memory_space<hbm>>) target(%dma_start3A_109 : memref<512x32xf32, #tpu.memory_space<vmem>>) offsets(%dma_start3A_112 : memref<512xi32, #tpu.memory_space<vmem>>) semaphore(%arg11 : memref<!tpu.dma_semaphore, #tpu.memory_space<semaphore_mem>>)
      %dma_wait3A_116 = arith.constant 0 : i32
      %dma_wait3A_117 = arith.constant 0 : i32
      %dma_wait3A_118 = arith.constant 0 : i32
      %dma_wait3A_119 = arith.constant 0 : i32
      %dma_wait3A_120 = tpu.memref_slice %arg6[%dma_wait3A_117, %dma_wait3A_118, %dma_wait3A_119] : memref<2x512x32xf32, #tpu.memory_space<vmem>> -> memref<1x512x32xf32, #tpu.memory_space<vmem>>
      %dma_wait3A_121 = tpu.memref_squeeze %dma_wait3A_120 : memref<1x512x32xf32, #tpu.memory_space<vmem>> -> memref<512x32xf32, #tpu.memory_space<vmem>>
      %dma_wait3A_122 = arith.constant 0 : i32
      %dma_wait3A_123 = tpu.memref_slice %arg5[%dma_wait3A_116, %dma_wait3A_122] : memref<2x512xi32, #tpu.memory_space<vmem>> -> memref<1x512xi32, #tpu.memory_space<vmem>>
      %dma_wait3A_124 = tpu.memref_squeeze %dma_wait3A_123 : memref<1x512xi32, #tpu.memory_space<vmem>> -> memref<512xi32, #tpu.memory_space<vmem>>
      %dma_wait3A_125 = arith.constant 0 : i32
      %dma_wait3A_126 = arith.constant 0 : i32
      %dma_wait3A_127 = tpu.memref_slice %arg2[%dma_wait3A_125, %dma_wait3A_126] : memref<1000000x32xf32, #tpu.memory_space<hbm>> -> memref<1000000x32xf32, #tpu.memory_space<hbm>>
      tpu.wait_indirect_dma semaphore(%arg10 : memref<!tpu.dma_semaphore, #tpu.memory_space<semaphore_mem>>) src(%dma_wait3A_127 : memref<1000000x32xf32, #tpu.memory_space<hbm>>) dst(%dma_wait3A_121 : memref<512x32xf32, #tpu.memory_space<vmem>>)
      %gt3A = arith.constant 0 : i32
      %gt3A_128 = arith.cmpi sgt, %scan3A_89, %gt3A : i32
      %convert_element_type3A = arith.extui %gt3A_128 : i1 to i32
      %cond3A = arith.constant 0 : i32
      %cond3A_129 = arith.cmpi ne, %convert_element_type3A, %cond3A : i32
      scf.if %cond3A_129 {
        %dma_wait3A_205 = arith.constant 0 : i32
        %dma_wait3A_206 = arith.constant 0 : i32
        %dma_wait3A_207 = arith.constant 0 : i32
        %dma_wait3A_208 = arith.constant 0 : i32
        %dma_wait3A_209 = tpu.memref_slice %arg7[%dma_wait3A_205, %dma_wait3A_207, %dma_wait3A_208] : memref<2x32x529xf32, #tpu.memory_space<vmem>> -> memref<1x32x512xf32, #tpu.memory_space<vmem>>
        %dma_wait3A_210 = tpu.memref_squeeze %dma_wait3A_209 : memref<1x32x512xf32, #tpu.memory_space<vmem>> -> memref<32x512xf32, #tpu.memory_space<vmem>>
        %dma_wait3A_211 = arith.constant 0 : i32
        %dma_wait3A_212 = tpu.memref_slice %arg4[%dma_wait3A_206, %dma_wait3A_211, %mul3A_2] : memref<50x32x16384xf32, #tpu.memory_space<hbm>> -> memref<1x32x512xf32, #tpu.memory_space<hbm>>
        %dma_wait3A_213 = tpu.memref_squeeze %dma_wait3A_212 : memref<1x32x512xf32, #tpu.memory_space<hbm>> -> memref<32x512xf32, #tpu.memory_space<hbm>>
        %dma_wait3A_214 = arith.constant 0 : i32
        %dma_wait3A_215 = tpu.memref_slice %arg4[%dma_wait3A_206, %dma_wait3A_214, %mul3A_2] : memref<50x32x16384xf32, #tpu.memory_space<hbm>> -> memref<1x32x512xf32, #tpu.memory_space<hbm>>
        %dma_wait3A_216 = tpu.memref_squeeze %dma_wait3A_215 : memref<1x32x512xf32, #tpu.memory_space<hbm>> -> memref<32x512xf32, #tpu.memory_space<hbm>>
        %dma_wait3A_217 = arith.constant 0 : i32
        %dma_wait3A_218 = arith.constant 0 : i32
        %dma_wait3A_219 = tpu.memref_slice %arg7[%dma_wait3A_205, %dma_wait3A_217, %dma_wait3A_218] : memref<2x32x529xf32, #tpu.memory_space<vmem>> -> memref<1x32x512xf32, #tpu.memory_space<vmem>>
        %dma_wait3A_220 = tpu.memref_squeeze %dma_wait3A_219 : memref<1x32x512xf32, #tpu.memory_space<vmem>> -> memref<32x512xf32, #tpu.memory_space<vmem>>
        tpu.wait_dma2 semaphore(%arg12 : memref<!tpu.dma_semaphore, #tpu.memory_space<semaphore_mem>>) src(%dma_wait3A_220 : memref<32x512xf32, #tpu.memory_space<vmem>>) dst(%dma_wait3A_216 : memref<32x512xf32, #tpu.memory_space<hbm>>)
      } else {
      }
      %scan3A_130 = arith.constant 0 : i32
      %scan3A_131 = arith.constant 0 : i32
      %scan3A_132 = arith.constant 512 : i32
      %scan3A_133 = arith.addi %scan3A_131, %scan3A_132 : i32
      %scan3A_134 = arith.constant 8 : i32
      scf.for %scan3A_205 = %scan3A_131 to %scan3A_133 step %scan3A_134  : i32 {
        %broadcast_in_dim3A = arith.constant 0 : i32
        %broadcast_in_dim3A_206 = vector.broadcast %broadcast_in_dim3A : i32 to vector<16xi32>
        %add3A_207 = vector.broadcast %scan3A_205 : i32 to vector<16xi32>
        %add3A_208 = arith.addi %broadcast_in_dim3A_206, %add3A_207 : vector<16xi32>
        %get3A = arith.constant 0 : i32
        %get3A_209 = arith.index_cast %get3A : i32 to index
        %get3A_210 = arith.index_cast %scan3A_205 : i32 to index
        %get3A_211 = arith.constant 0 : index
        %get3A_212 = tpu.vector_load %arg6[%get3A_209, %get3A_210, %get3A_211] {strides = array<i32>} : memref<2x512x32xf32, #tpu.memory_space<vmem>>, vector<16xf32>,
        %scatter3A = arith.constant 0 : i32
        %scatter3A_213 = arith.constant 0 : i32
        %scatter3A_214 = arith.constant 0 : i32
        %scatter3A_215 = tpu.memref_slice %arg7[%scatter3A, %scatter3A_213, %scatter3A_214] : memref<2x32x529xf32, #tpu.memory_space<vmem>> -> memref<1x32x529xf32, #tpu.memory_space<vmem>>
        %scatter3A_216 = tpu.memref_squeeze %scatter3A_215 : memref<1x32x529xf32, #tpu.memory_space<vmem>> -> memref<32x529xf32, #tpu.memory_space<vmem>>
        tpu.vector_store_idx %scatter3A_216[%iota3A, %add3A_208], %get3A_212 : memref<32x529xf32, #tpu.memory_space<vmem>>[vector<16xi32>, vector<16xi32>], vector<16xf32>,
        %get3A_217 = arith.constant 0 : i32
        %get3A_218 = arith.index_cast %get3A_217 : i32 to index
        %get3A_219 = arith.index_cast %scan3A_205 : i32 to index
        %get3A_220 = arith.constant 16 : index
        %get3A_221 = tpu.vector_load %arg6[%get3A_218, %get3A_219, %get3A_220] {strides = array<i32>} : memref<2x512x32xf32, #tpu.memory_space<vmem>>, vector<16xf32>,
        %scatter3A_222 = arith.constant 0 : i32
        %scatter3A_223 = arith.constant 0 : i32
        %scatter3A_224 = arith.constant 0 : i32
        %scatter3A_225 = tpu.memref_slice %arg7[%scatter3A_222, %scatter3A_223, %scatter3A_224] : memref<2x32x529xf32, #tpu.memory_space<vmem>> -> memref<1x32x529xf32, #tpu.memory_space<vmem>>
        %scatter3A_226 = tpu.memref_squeeze %scatter3A_225 : memref<1x32x529xf32, #tpu.memory_space<vmem>> -> memref<32x529xf32, #tpu.memory_space<vmem>>
        tpu.vector_store_idx %scatter3A_226[%add3A_5, %add3A_208], %get3A_221 : memref<32x529xf32, #tpu.memory_space<vmem>>[vector<16xi32>, vector<16xi32>], vector<16xf32>,
        %scan3A_227 = arith.constant 1 : i32
        %scan3A_228 = arith.addi %scan3A_205, %scan3A_227 : i32
        %broadcast_in_dim3A_229 = arith.constant 0 : i32
        %broadcast_in_dim3A_230 = vector.broadcast %broadcast_in_dim3A_229 : i32 to vector<16xi32>
        %add3A_231 = vector.broadcast %scan3A_228 : i32 to vector<16xi32>
        %add3A_232 = arith.addi %broadcast_in_dim3A_230, %add3A_231 : vector<16xi32>
        %get3A_233 = arith.constant 0 : i32
        %get3A_234 = arith.index_cast %get3A_233 : i32 to index
        %get3A_235 = arith.index_cast %scan3A_228 : i32 to index
        %get3A_236 = arith.constant 0 : index
        %get3A_237 = tpu.vector_load %arg6[%get3A_234, %get3A_235, %get3A_236] {strides = array<i32>} : memref<2x512x32xf32, #tpu.memory_space<vmem>>, vector<16xf32>,
        %scatter3A_238 = arith.constant 0 : i32
        %scatter3A_239 = arith.constant 0 : i32
        %scatter3A_240 = arith.constant 0 : i32
        %scatter3A_241 = tpu.memref_slice %arg7[%scatter3A_238, %scatter3A_239, %scatter3A_240] : memref<2x32x529xf32, #tpu.memory_space<vmem>> -> memref<1x32x529xf32, #tpu.memory_space<vmem>>
        %scatter3A_242 = tpu.memref_squeeze %scatter3A_241 : memref<1x32x529xf32, #tpu.memory_space<vmem>> -> memref<32x529xf32, #tpu.memory_space<vmem>>
        tpu.vector_store_idx %scatter3A_242[%iota3A, %add3A_232], %get3A_237 : memref<32x529xf32, #tpu.memory_space<vmem>>[vector<16xi32>, vector<16xi32>], vector<16xf32>,
        %get3A_243 = arith.constant 0 : i32
        %get3A_244 = arith.index_cast %get3A_243 : i32 to index
        %get3A_245 = arith.index_cast %scan3A_228 : i32 to index
        %get3A_246 = arith.constant 16 : index
        %get3A_247 = tpu.vector_load %arg6[%get3A_244, %get3A_245, %get3A_246] {strides = array<i32>} : memref<2x512x32xf32, #tpu.memory_space<vmem>>, vector<16xf32>,
        %scatter3A_248 = arith.constant 0 : i32
        %scatter3A_249 = arith.constant 0 : i32
        %scatter3A_250 = arith.constant 0 : i32
        %scatter3A_251 = tpu.memref_slice %arg7[%scatter3A_248, %scatter3A_249, %scatter3A_250] : memref<2x32x529xf32, #tpu.memory_space<vmem>> -> memref<1x32x529xf32, #tpu.memory_space<vmem>>
        %scatter3A_252 = tpu.memref_squeeze %scatter3A_251 : memref<1x32x529xf32, #tpu.memory_space<vmem>> -> memref<32x529xf32, #tpu.memory_space<vmem>>
        tpu.vector_store_idx %scatter3A_252[%add3A_5, %add3A_232], %get3A_247 : memref<32x529xf32, #tpu.memory_space<vmem>>[vector<16xi32>, vector<16xi32>], vector<16xf32>,
        %scan3A_253 = arith.constant 2 : i32
        %scan3A_254 = arith.addi %scan3A_205, %scan3A_253 : i32
        %broadcast_in_dim3A_255 = arith.constant 0 : i32
        %broadcast_in_dim3A_256 = vector.broadcast %broadcast_in_dim3A_255 : i32 to vector<16xi32>
        %add3A_257 = vector.broadcast %scan3A_254 : i32 to vector<16xi32>
        %add3A_258 = arith.addi %broadcast_in_dim3A_256, %add3A_257 : vector<16xi32>
        %get3A_259 = arith.constant 0 : i32
        %get3A_260 = arith.index_cast %get3A_259 : i32 to index
        %get3A_261 = arith.index_cast %scan3A_254 : i32 to index
        %get3A_262 = arith.constant 0 : index
        %get3A_263 = tpu.vector_load %arg6[%get3A_260, %get3A_261, %get3A_262] {strides = array<i32>} : memref<2x512x32xf32, #tpu.memory_space<vmem>>, vector<16xf32>,
        %scatter3A_264 = arith.constant 0 : i32
        %scatter3A_265 = arith.constant 0 : i32
        %scatter3A_266 = arith.constant 0 : i32
        %scatter3A_267 = tpu.memref_slice %arg7[%scatter3A_264, %scatter3A_265, %scatter3A_266] : memref<2x32x529xf32, #tpu.memory_space<vmem>> -> memref<1x32x529xf32, #tpu.memory_space<vmem>>
        %scatter3A_268 = tpu.memref_squeeze %scatter3A_267 : memref<1x32x529xf32, #tpu.memory_space<vmem>> -> memref<32x529xf32, #tpu.memory_space<vmem>>
        tpu.vector_store_idx %scatter3A_268[%iota3A, %add3A_258], %get3A_263 : memref<32x529xf32, #tpu.memory_space<vmem>>[vector<16xi32>, vector<16xi32>], vector<16xf32>,
        %get3A_269 = arith.constant 0 : i32
        %get3A_270 = arith.index_cast %get3A_269 : i32 to index
        %get3A_271 = arith.index_cast %scan3A_254 : i32 to index
        %get3A_272 = arith.constant 16 : index
        %get3A_273 = tpu.vector_load %arg6[%get3A_270, %get3A_271, %get3A_272] {strides = array<i32>} : memref<2x512x32xf32, #tpu.memory_space<vmem>>, vector<16xf32>,
        %scatter3A_274 = arith.constant 0 : i32
        %scatter3A_275 = arith.constant 0 : i32
        %scatter3A_276 = arith.constant 0 : i32
        %scatter3A_277 = tpu.memref_slice %arg7[%scatter3A_274, %scatter3A_275, %scatter3A_276] : memref<2x32x529xf32, #tpu.memory_space<vmem>> -> memref<1x32x529xf32, #tpu.memory_space<vmem>>
        %scatter3A_278 = tpu.memref_squeeze %scatter3A_277 : memref<1x32x529xf32, #tpu.memory_space<vmem>> -> memref<32x529xf32, #tpu.memory_space<vmem>>
        tpu.vector_store_idx %scatter3A_278[%add3A_5, %add3A_258], %get3A_273 : memref<32x529xf32, #tpu.memory_space<vmem>>[vector<16xi32>, vector<16xi32>], vector<16xf32>,
        %scan3A_279 = arith.constant 3 : i32
        %scan3A_280 = arith.addi %scan3A_205, %scan3A_279 : i32
        %broadcast_in_dim3A_281 = arith.constant 0 : i32
        %broadcast_in_dim3A_282 = vector.broadcast %broadcast_in_dim3A_281 : i32 to vector<16xi32>
        %add3A_283 = vector.broadcast %scan3A_280 : i32 to vector<16xi32>
        %add3A_284 = arith.addi %broadcast_in_dim3A_282, %add3A_283 : vector<16xi32>
        %get3A_285 = arith.constant 0 : i32
        %get3A_286 = arith.index_cast %get3A_285 : i32 to index
        %get3A_287 = arith.index_cast %scan3A_280 : i32 to index
        %get3A_288 = arith.constant 0 : index
        %get3A_289 = tpu.vector_load %arg6[%get3A_286, %get3A_287, %get3A_288] {strides = array<i32>} : memref<2x512x32xf32, #tpu.memory_space<vmem>>, vector<16xf32>,
        %scatter3A_290 = arith.constant 0 : i32
        %scatter3A_291 = arith.constant 0 : i32
        %scatter3A_292 = arith.constant 0 : i32
        %scatter3A_293 = tpu.memref_slice %arg7[%scatter3A_290, %scatter3A_291, %scatter3A_292] : memref<2x32x529xf32, #tpu.memory_space<vmem>> -> memref<1x32x529xf32, #tpu.memory_space<vmem>>
        %scatter3A_294 = tpu.memref_squeeze %scatter3A_293 : memref<1x32x529xf32, #tpu.memory_space<vmem>> -> memref<32x529xf32, #tpu.memory_space<vmem>>
        tpu.vector_store_idx %scatter3A_294[%iota3A, %add3A_284], %get3A_289 : memref<32x529xf32, #tpu.memory_space<vmem>>[vector<16xi32>, vector<16xi32>], vector<16xf32>,
        %get3A_295 = arith.constant 0 : i32
        %get3A_296 = arith.index_cast %get3A_295 : i32 to index
        %get3A_297 = arith.index_cast %scan3A_280 : i32 to index
        %get3A_298 = arith.constant 16 : index
        %get3A_299 = tpu.vector_load %arg6[%get3A_296, %get3A_297, %get3A_298] {strides = array<i32>} : memref<2x512x32xf32, #tpu.memory_space<vmem>>, vector<16xf32>,
        %scatter3A_300 = arith.constant 0 : i32
        %scatter3A_301 = arith.constant 0 : i32
        %scatter3A_302 = arith.constant 0 : i32
        %scatter3A_303 = tpu.memref_slice %arg7[%scatter3A_300, %scatter3A_301, %scatter3A_302] : memref<2x32x529xf32, #tpu.memory_space<vmem>> -> memref<1x32x529xf32, #tpu.memory_space<vmem>>
        %scatter3A_304 = tpu.memref_squeeze %scatter3A_303 : memref<1x32x529xf32, #tpu.memory_space<vmem>> -> memref<32x529xf32, #tpu.memory_space<vmem>>
        tpu.vector_store_idx %scatter3A_304[%add3A_5, %add3A_284], %get3A_299 : memref<32x529xf32, #tpu.memory_space<vmem>>[vector<16xi32>, vector<16xi32>], vector<16xf32>,
        %scan3A_305 = arith.constant 4 : i32
        %scan3A_306 = arith.addi %scan3A_205, %scan3A_305 : i32
        %broadcast_in_dim3A_307 = arith.constant 0 : i32
        %broadcast_in_dim3A_308 = vector.broadcast %broadcast_in_dim3A_307 : i32 to vector<16xi32>
        %add3A_309 = vector.broadcast %scan3A_306 : i32 to vector<16xi32>
        %add3A_310 = arith.addi %broadcast_in_dim3A_308, %add3A_309 : vector<16xi32>
        %get3A_311 = arith.constant 0 : i32
        %get3A_312 = arith.index_cast %get3A_311 : i32 to index
        %get3A_313 = arith.index_cast %scan3A_306 : i32 to index
        %get3A_314 = arith.constant 0 : index
        %get3A_315 = tpu.vector_load %arg6[%get3A_312, %get3A_313, %get3A_314] {strides = array<i32>} : memref<2x512x32xf32, #tpu.memory_space<vmem>>, vector<16xf32>,
        %scatter3A_316 = arith.constant 0 : i32
        %scatter3A_317 = arith.constant 0 : i32
        %scatter3A_318 = arith.constant 0 : i32
        %scatter3A_319 = tpu.memref_slice %arg7[%scatter3A_316, %scatter3A_317, %scatter3A_318] : memref<2x32x529xf32, #tpu.memory_space<vmem>> -> memref<1x32x529xf32, #tpu.memory_space<vmem>>
        %scatter3A_320 = tpu.memref_squeeze %scatter3A_319 : memref<1x32x529xf32, #tpu.memory_space<vmem>> -> memref<32x529xf32, #tpu.memory_space<vmem>>
        tpu.vector_store_idx %scatter3A_320[%iota3A, %add3A_310], %get3A_315 : memref<32x529xf32, #tpu.memory_space<vmem>>[vector<16xi32>, vector<16xi32>], vector<16xf32>,
        %get3A_321 = arith.constant 0 : i32
        %get3A_322 = arith.index_cast %get3A_321 : i32 to index
        %get3A_323 = arith.index_cast %scan3A_306 : i32 to index
        %get3A_324 = arith.constant 16 : index
        %get3A_325 = tpu.vector_load %arg6[%get3A_322, %get3A_323, %get3A_324] {strides = array<i32>} : memref<2x512x32xf32, #tpu.memory_space<vmem>>, vector<16xf32>,
        %scatter3A_326 = arith.constant 0 : i32
        %scatter3A_327 = arith.constant 0 : i32
        %scatter3A_328 = arith.constant 0 : i32
        %scatter3A_329 = tpu.memref_slice %arg7[%scatter3A_326, %scatter3A_327, %scatter3A_328] : memref<2x32x529xf32, #tpu.memory_space<vmem>> -> memref<1x32x529xf32, #tpu.memory_space<vmem>>
        %scatter3A_330 = tpu.memref_squeeze %scatter3A_329 : memref<1x32x529xf32, #tpu.memory_space<vmem>> -> memref<32x529xf32, #tpu.memory_space<vmem>>
        tpu.vector_store_idx %scatter3A_330[%add3A_5, %add3A_310], %get3A_325 : memref<32x529xf32, #tpu.memory_space<vmem>>[vector<16xi32>, vector<16xi32>], vector<16xf32>,
        %scan3A_331 = arith.constant 5 : i32
        %scan3A_332 = arith.addi %scan3A_205, %scan3A_331 : i32
        %broadcast_in_dim3A_333 = arith.constant 0 : i32
        %broadcast_in_dim3A_334 = vector.broadcast %broadcast_in_dim3A_333 : i32 to vector<16xi32>
        %add3A_335 = vector.broadcast %scan3A_332 : i32 to vector<16xi32>
        %add3A_336 = arith.addi %broadcast_in_dim3A_334, %add3A_335 : vector<16xi32>
        %get3A_337 = arith.constant 0 : i32
        %get3A_338 = arith.index_cast %get3A_337 : i32 to index
        %get3A_339 = arith.index_cast %scan3A_332 : i32 to index
        %get3A_340 = arith.constant 0 : index
        %get3A_341 = tpu.vector_load %arg6[%get3A_338, %get3A_339, %get3A_340] {strides = array<i32>} : memref<2x512x32xf32, #tpu.memory_space<vmem>>, vector<16xf32>,
        %scatter3A_342 = arith.constant 0 : i32
        %scatter3A_343 = arith.constant 0 : i32
        %scatter3A_344 = arith.constant 0 : i32
        %scatter3A_345 = tpu.memref_slice %arg7[%scatter3A_342, %scatter3A_343, %scatter3A_344] : memref<2x32x529xf32, #tpu.memory_space<vmem>> -> memref<1x32x529xf32, #tpu.memory_space<vmem>>
        %scatter3A_346 = tpu.memref_squeeze %scatter3A_345 : memref<1x32x529xf32, #tpu.memory_space<vmem>> -> memref<32x529xf32, #tpu.memory_space<vmem>>
        tpu.vector_store_idx %scatter3A_346[%iota3A, %add3A_336], %get3A_341 : memref<32x529xf32, #tpu.memory_space<vmem>>[vector<16xi32>, vector<16xi32>], vector<16xf32>,
        %get3A_347 = arith.constant 0 : i32
        %get3A_348 = arith.index_cast %get3A_347 : i32 to index
        %get3A_349 = arith.index_cast %scan3A_332 : i32 to index
        %get3A_350 = arith.constant 16 : index
        %get3A_351 = tpu.vector_load %arg6[%get3A_348, %get3A_349, %get3A_350] {strides = array<i32>} : memref<2x512x32xf32, #tpu.memory_space<vmem>>, vector<16xf32>,
        %scatter3A_352 = arith.constant 0 : i32
        %scatter3A_353 = arith.constant 0 : i32
        %scatter3A_354 = arith.constant 0 : i32
        %scatter3A_355 = tpu.memref_slice %arg7[%scatter3A_352, %scatter3A_353, %scatter3A_354] : memref<2x32x529xf32, #tpu.memory_space<vmem>> -> memref<1x32x529xf32, #tpu.memory_space<vmem>>
        %scatter3A_356 = tpu.memref_squeeze %scatter3A_355 : memref<1x32x529xf32, #tpu.memory_space<vmem>> -> memref<32x529xf32, #tpu.memory_space<vmem>>
        tpu.vector_store_idx %scatter3A_356[%add3A_5, %add3A_336], %get3A_351 : memref<32x529xf32, #tpu.memory_space<vmem>>[vector<16xi32>, vector<16xi32>], vector<16xf32>,
        %scan3A_357 = arith.constant 6 : i32
        %scan3A_358 = arith.addi %scan3A_205, %scan3A_357 : i32
        %broadcast_in_dim3A_359 = arith.constant 0 : i32
        %broadcast_in_dim3A_360 = vector.broadcast %broadcast_in_dim3A_359 : i32 to vector<16xi32>
        %add3A_361 = vector.broadcast %scan3A_358 : i32 to vector<16xi32>
        %add3A_362 = arith.addi %broadcast_in_dim3A_360, %add3A_361 : vector<16xi32>
        %get3A_363 = arith.constant 0 : i32
        %get3A_364 = arith.index_cast %get3A_363 : i32 to index
        %get3A_365 = arith.index_cast %scan3A_358 : i32 to index
        %get3A_366 = arith.constant 0 : index
        %get3A_367 = tpu.vector_load %arg6[%get3A_364, %get3A_365, %get3A_366] {strides = array<i32>} : memref<2x512x32xf32, #tpu.memory_space<vmem>>, vector<16xf32>,
        %scatter3A_368 = arith.constant 0 : i32
        %scatter3A_369 = arith.constant 0 : i32
        %scatter3A_370 = arith.constant 0 : i32
        %scatter3A_371 = tpu.memref_slice %arg7[%scatter3A_368, %scatter3A_369, %scatter3A_370] : memref<2x32x529xf32, #tpu.memory_space<vmem>> -> memref<1x32x529xf32, #tpu.memory_space<vmem>>
        %scatter3A_372 = tpu.memref_squeeze %scatter3A_371 : memref<1x32x529xf32, #tpu.memory_space<vmem>> -> memref<32x529xf32, #tpu.memory_space<vmem>>
        tpu.vector_store_idx %scatter3A_372[%iota3A, %add3A_362], %get3A_367 : memref<32x529xf32, #tpu.memory_space<vmem>>[vector<16xi32>, vector<16xi32>], vector<16xf32>,
        %get3A_373 = arith.constant 0 : i32
        %get3A_374 = arith.index_cast %get3A_373 : i32 to index
        %get3A_375 = arith.index_cast %scan3A_358 : i32 to index
        %get3A_376 = arith.constant 16 : index
        %get3A_377 = tpu.vector_load %arg6[%get3A_374, %get3A_375, %get3A_376] {strides = array<i32>} : memref<2x512x32xf32, #tpu.memory_space<vmem>>, vector<16xf32>,
        %scatter3A_378 = arith.constant 0 : i32
        %scatter3A_379 = arith.constant 0 : i32
        %scatter3A_380 = arith.constant 0 : i32
        %scatter3A_381 = tpu.memref_slice %arg7[%scatter3A_378, %scatter3A_379, %scatter3A_380] : memref<2x32x529xf32, #tpu.memory_space<vmem>> -> memref<1x32x529xf32, #tpu.memory_space<vmem>>
        %scatter3A_382 = tpu.memref_squeeze %scatter3A_381 : memref<1x32x529xf32, #tpu.memory_space<vmem>> -> memref<32x529xf32, #tpu.memory_space<vmem>>
        tpu.vector_store_idx %scatter3A_382[%add3A_5, %add3A_362], %get3A_377 : memref<32x529xf32, #tpu.memory_space<vmem>>[vector<16xi32>, vector<16xi32>], vector<16xf32>,
        %scan3A_383 = arith.constant 7 : i32
        %scan3A_384 = arith.addi %scan3A_205, %scan3A_383 : i32
        %broadcast_in_dim3A_385 = arith.constant 0 : i32
        %broadcast_in_dim3A_386 = vector.broadcast %broadcast_in_dim3A_385 : i32 to vector<16xi32>
        %add3A_387 = vector.broadcast %scan3A_384 : i32 to vector<16xi32>
        %add3A_388 = arith.addi %broadcast_in_dim3A_386, %add3A_387 : vector<16xi32>
        %get3A_389 = arith.constant 0 : i32
        %get3A_390 = arith.index_cast %get3A_389 : i32 to index
        %get3A_391 = arith.index_cast %scan3A_384 : i32 to index
        %get3A_392 = arith.constant 0 : index
        %get3A_393 = tpu.vector_load %arg6[%get3A_390, %get3A_391, %get3A_392] {strides = array<i32>} : memref<2x512x32xf32, #tpu.memory_space<vmem>>, vector<16xf32>,
        %scatter3A_394 = arith.constant 0 : i32
        %scatter3A_395 = arith.constant 0 : i32
        %scatter3A_396 = arith.constant 0 : i32
        %scatter3A_397 = tpu.memref_slice %arg7[%scatter3A_394, %scatter3A_395, %scatter3A_396] : memref<2x32x529xf32, #tpu.memory_space<vmem>> -> memref<1x32x529xf32, #tpu.memory_space<vmem>>
        %scatter3A_398 = tpu.memref_squeeze %scatter3A_397 : memref<1x32x529xf32, #tpu.memory_space<vmem>> -> memref<32x529xf32, #tpu.memory_space<vmem>>
        tpu.vector_store_idx %scatter3A_398[%iota3A, %add3A_388], %get3A_393 : memref<32x529xf32, #tpu.memory_space<vmem>>[vector<16xi32>, vector<16xi32>], vector<16xf32>,
        %get3A_399 = arith.constant 0 : i32
        %get3A_400 = arith.index_cast %get3A_399 : i32 to index
        %get3A_401 = arith.index_cast %scan3A_384 : i32 to index
        %get3A_402 = arith.constant 16 : index
        %get3A_403 = tpu.vector_load %arg6[%get3A_400, %get3A_401, %get3A_402] {strides = array<i32>} : memref<2x512x32xf32, #tpu.memory_space<vmem>>, vector<16xf32>,
        %scatter3A_404 = arith.constant 0 : i32
        %scatter3A_405 = arith.constant 0 : i32
        %scatter3A_406 = arith.constant 0 : i32
        %scatter3A_407 = tpu.memref_slice %arg7[%scatter3A_404, %scatter3A_405, %scatter3A_406] : memref<2x32x529xf32, #tpu.memory_space<vmem>> -> memref<1x32x529xf32, #tpu.memory_space<vmem>>
        %scatter3A_408 = tpu.memref_squeeze %scatter3A_407 : memref<1x32x529xf32, #tpu.memory_space<vmem>> -> memref<32x529xf32, #tpu.memory_space<vmem>>
        tpu.vector_store_idx %scatter3A_408[%add3A_5, %add3A_388], %get3A_403 : memref<32x529xf32, #tpu.memory_space<vmem>>[vector<16xi32>, vector<16xi32>], vector<16xf32>,
      }
      %scan3A_135 = arith.constant 512 : i32
      %dma_start3A_136 = arith.constant 0 : i32
      %dma_start3A_137 = arith.constant 0 : i32
      %dma_start3A_138 = arith.constant 0 : i32
      %dma_start3A_139 = tpu.memref_slice %arg7[%dma_start3A_136, %dma_start3A_137, %dma_start3A_138] : memref<2x32x529xf32, #tpu.memory_space<vmem>> -> memref<1x32x512xf32, #tpu.memory_space<vmem>>
      %dma_start3A_140 = tpu.memref_squeeze %dma_start3A_139 : memref<1x32x512xf32, #tpu.memory_space<vmem>> -> memref<32x512xf32, #tpu.memory_space<vmem>>
      %dma_start3A_141 = arith.constant 0 : i32
      %dma_start3A_142 = tpu.memref_slice %arg4[%mul3A_91, %dma_start3A_141, %mul3A_2] : memref<50x32x16384xf32, #tpu.memory_space<hbm>> -> memref<1x32x512xf32, #tpu.memory_space<hbm>>
      %dma_start3A_143 = tpu.memref_squeeze %dma_start3A_142 : memref<1x32x512xf32, #tpu.memory_space<hbm>> -> memref<32x512xf32, #tpu.memory_space<hbm>>
      %dma_start3A_144 = arith.constant 0 : i32
      %dma_start3A_145 = tpu.memref_slice %arg4[%mul3A_91, %dma_start3A_144, %mul3A_2] : memref<50x32x16384xf32, #tpu.memory_space<hbm>> -> memref<1x32x512xf32, #tpu.memory_space<hbm>>
      %dma_start3A_146 = tpu.memref_squeeze %dma_start3A_145 : memref<1x32x512xf32, #tpu.memory_space<hbm>> -> memref<32x512xf32, #tpu.memory_space<hbm>>
      %dma_start3A_147 = arith.constant 0 : i32
      %dma_start3A_148 = arith.constant 0 : i32
      %dma_start3A_149 = tpu.memref_slice %arg7[%dma_start3A_136, %dma_start3A_147, %dma_start3A_148] : memref<2x32x529xf32, #tpu.memory_space<vmem>> -> memref<1x32x512xf32, #tpu.memory_space<vmem>>
      %dma_start3A_150 = tpu.memref_squeeze %dma_start3A_149 : memref<1x32x512xf32, #tpu.memory_space<vmem>> -> memref<32x512xf32, #tpu.memory_space<vmem>>
      tpu.enqueue_dma source(%dma_start3A_150 : memref<32x512xf32, #tpu.memory_space<vmem>>) target(%dma_start3A_146 : memref<32x512xf32, #tpu.memory_space<hbm>>) target_semaphore(%arg12 : memref<!tpu.dma_semaphore, #tpu.memory_space<semaphore_mem>>)
      %lt3A = arith.constant 24 : i32
      %lt3A_151 = arith.cmpi slt, %scan3A_89, %lt3A : i32
      %convert_element_type3A_152 = arith.extui %lt3A_151 : i1 to i32
      %cond3A_153 = arith.constant 0 : i32
      %cond3A_154 = arith.cmpi ne, %convert_element_type3A_152, %cond3A_153 : i32
      scf.if %cond3A_154 {
        %add3A_205 = arith.constant 2 : i32
        %add3A_206 = arith.addi %mul3A_91, %add3A_205 : i32
        %dma_start3A_207 = arith.constant 0 : i32
        %dma_start3A_208 = arith.constant 0 : i32
        %dma_start3A_209 = tpu.memref_slice %arg5[%dma_start3A_207, %dma_start3A_208] : memref<2x512xi32, #tpu.memory_space<vmem>> -> memref<1x512xi32, #tpu.memory_space<vmem>>
        %dma_start3A_210 = tpu.memref_squeeze %dma_start3A_209 : memref<1x512xi32, #tpu.memory_space<vmem>> -> memref<512xi32, #tpu.memory_space<vmem>>
        %dma_start3A_211 = tpu.memref_slice %arg3[%add3A_206, %mul3A_2] : memref<50x16384xi32, #tpu.memory_space<hbm>> -> memref<1x512xi32, #tpu.memory_space<hbm>>
        %dma_start3A_212 = tpu.memref_squeeze %dma_start3A_211 : memref<1x512xi32, #tpu.memory_space<hbm>> -> memref<512xi32, #tpu.memory_space<hbm>>
        %dma_start3A_213 = arith.constant 0 : i32
        %dma_start3A_214 = tpu.memref_slice %arg5[%dma_start3A_207, %dma_start3A_213] : memref<2x512xi32, #tpu.memory_space<vmem>> -> memref<1x512xi32, #tpu.memory_space<vmem>>
        %dma_start3A_215 = tpu.memref_squeeze %dma_start3A_214 : memref<1x512xi32, #tpu.memory_space<vmem>> -> memref<512xi32, #tpu.memory_space<vmem>>
        %dma_start3A_216 = tpu.memref_slice %arg3[%add3A_206, %mul3A_2] : memref<50x16384xi32, #tpu.memory_space<hbm>> -> memref<1x512xi32, #tpu.memory_space<hbm>>
        %dma_start3A_217 = tpu.memref_squeeze %dma_start3A_216 : memref<1x512xi32, #tpu.memory_space<hbm>> -> memref<512xi32, #tpu.memory_space<hbm>>
        tpu.enqueue_dma source(%dma_start3A_217 : memref<512xi32, #tpu.memory_space<hbm>>) target(%dma_start3A_215 : memref<512xi32, #tpu.memory_space<vmem>>) target_semaphore(%arg8 : memref<!tpu.dma_semaphore, #tpu.memory_space<semaphore_mem>>)
      } else {
      }
      %dma_wait3A_155 = arith.constant 1 : i32
      %dma_wait3A_156 = arith.constant 1 : i32
      %dma_wait3A_157 = arith.constant 0 : i32
      %dma_wait3A_158 = arith.constant 0 : i32
      %dma_wait3A_159 = tpu.memref_slice %arg6[%dma_wait3A_156, %dma_wait3A_157, %dma_wait3A_158] : memref<2x512x32xf32, #tpu.memory_space<vmem>> -> memref<1x512x32xf32, #tpu.memory_space<vmem>>
      %dma_wait3A_160 = tpu.memref_squeeze %dma_wait3A_159 : memref<1x512x32xf32, #tpu.memory_space<vmem>> -> memref<512x32xf32, #tpu.memory_space<vmem>>
      %dma_wait3A_161 = arith.constant 0 : i32
      %dma_wait3A_162 = tpu.memref_slice %arg5[%dma_wait3A_155, %dma_wait3A_161] : memref<2x512xi32, #tpu.memory_space<vmem>> -> memref<1x512xi32, #tpu.memory_space<vmem>>
      %dma_wait3A_163 = tpu.memref_squeeze %dma_wait3A_162 : memref<1x512xi32, #tpu.memory_space<vmem>> -> memref<512xi32, #tpu.memory_space<vmem>>
      %dma_wait3A_164 = arith.constant 0 : i32
      %dma_wait3A_165 = arith.constant 0 : i32
      %dma_wait3A_166 = tpu.memref_slice %arg2[%dma_wait3A_164, %dma_wait3A_165] : memref<1000000x32xf32, #tpu.memory_space<hbm>> -> memref<1000000x32xf32, #tpu.memory_space<hbm>>
      tpu.wait_indirect_dma semaphore(%arg11 : memref<!tpu.dma_semaphore, #tpu.memory_space<semaphore_mem>>) src(%dma_wait3A_166 : memref<1000000x32xf32, #tpu.memory_space<hbm>>) dst(%dma_wait3A_160 : memref<512x32xf32, #tpu.memory_space<vmem>>)
      %lt3A_167 = arith.constant 24 : i32
      %lt3A_168 = arith.cmpi slt, %scan3A_89, %lt3A_167 : i32
      %convert_element_type3A_169 = arith.extui %lt3A_168 : i1 to i32
      %cond3A_170 = arith.constant 0 : i32
      %cond3A_171 = arith.cmpi ne, %convert_element_type3A_169, %cond3A_170 : i32
      scf.if %cond3A_171 {
        %dma_wait3A_205 = arith.constant 0 : i32
        %dma_wait3A_206 = arith.constant 0 : i32
        %dma_wait3A_207 = arith.constant 0 : i32
        %dma_wait3A_208 = tpu.memref_slice %arg5[%dma_wait3A_206, %dma_wait3A_207] : memref<2x512xi32, #tpu.memory_space<vmem>> -> memref<1x512xi32, #tpu.memory_space<vmem>>
        %dma_wait3A_209 = tpu.memref_squeeze %dma_wait3A_208 : memref<1x512xi32, #tpu.memory_space<vmem>> -> memref<512xi32, #tpu.memory_space<vmem>>
        %dma_wait3A_210 = tpu.memref_slice %arg3[%dma_wait3A_205, %mul3A_2] : memref<50x16384xi32, #tpu.memory_space<hbm>> -> memref<1x512xi32, #tpu.memory_space<hbm>>
        %dma_wait3A_211 = tpu.memref_squeeze %dma_wait3A_210 : memref<1x512xi32, #tpu.memory_space<hbm>> -> memref<512xi32, #tpu.memory_space<hbm>>
        %dma_wait3A_212 = arith.constant 0 : i32
        %dma_wait3A_213 = tpu.memref_slice %arg5[%dma_wait3A_206, %dma_wait3A_212] : memref<2x512xi32, #tpu.memory_space<vmem>> -> memref<1x512xi32, #tpu.memory_space<vmem>>
        %dma_wait3A_214 = tpu.memref_squeeze %dma_wait3A_213 : memref<1x512xi32, #tpu.memory_space<vmem>> -> memref<512xi32, #tpu.memory_space<vmem>>
        %dma_wait3A_215 = tpu.memref_slice %arg3[%dma_wait3A_205, %mul3A_2] : memref<50x16384xi32, #tpu.memory_space<hbm>> -> memref<1x512xi32, #tpu.memory_space<hbm>>
        %dma_wait3A_216 = tpu.memref_squeeze %dma_wait3A_215 : memref<1x512xi32, #tpu.memory_space<hbm>> -> memref<512xi32, #tpu.memory_space<hbm>>
        tpu.wait_dma2 semaphore(%arg8 : memref<!tpu.dma_semaphore, #tpu.memory_space<semaphore_mem>>) src(%dma_wait3A_216 : memref<512xi32, #tpu.memory_space<hbm>>) dst(%dma_wait3A_214 : memref<512xi32, #tpu.memory_space<vmem>>)
        %dma_start3A_217 = arith.constant 0 : i32
        %dma_start3A_218 = arith.constant 0 : i32
        %dma_start3A_219 = arith.constant 0 : i32
        %dma_start3A_220 = arith.constant 0 : i32
        %dma_start3A_221 = tpu.memref_slice %arg6[%dma_start3A_218, %dma_start3A_219, %dma_start3A_220] : memref<2x512x32xf32, #tpu.memory_space<vmem>> -> memref<1x512x32xf32, #tpu.memory_space<vmem>>
        %dma_start3A_222 = tpu.memref_squeeze %dma_start3A_221 : memref<1x512x32xf32, #tpu.memory_space<vmem>> -> memref<512x32xf32, #tpu.memory_space<vmem>>
        %dma_start3A_223 = arith.constant 0 : i32
        %dma_start3A_224 = tpu.memref_slice %arg5[%dma_start3A_217, %dma_start3A_223] : memref<2x512xi32, #tpu.memory_space<vmem>> -> memref<1x512xi32, #tpu.memory_space<vmem>>
        %dma_start3A_225 = tpu.memref_squeeze %dma_start3A_224 : memref<1x512xi32, #tpu.memory_space<vmem>> -> memref<512xi32, #tpu.memory_space<vmem>>
        %dma_start3A_226 = arith.constant 0 : i32
        %dma_start3A_227 = arith.constant 0 : i32
        %dma_start3A_228 = tpu.memref_slice %arg2[%dma_start3A_226, %dma_start3A_227] : memref<1000000x32xf32, #tpu.memory_space<hbm>> -> memref<1000000x32xf32, #tpu.memory_space<hbm>>
        tpu.enqueue_indirect_dma source(%dma_start3A_228 : memref<1000000x32xf32, #tpu.memory_space<hbm>>) target(%dma_start3A_222 : memref<512x32xf32, #tpu.memory_space<vmem>>) offsets(%dma_start3A_225 : memref<512xi32, #tpu.memory_space<vmem>>) semaphore(%arg10 : memref<!tpu.dma_semaphore, #tpu.memory_space<semaphore_mem>>)
      } else {
      }
      %gt3A_172 = arith.constant 0 : i32
      %gt3A_173 = arith.cmpi sgt, %scan3A_89, %gt3A_172 : i32
      %convert_element_type3A_174 = arith.extui %gt3A_173 : i1 to i32
      %cond3A_175 = arith.constant 0 : i32
      %cond3A_176 = arith.cmpi ne, %convert_element_type3A_174, %cond3A_175 : i32
      scf.if %cond3A_176 {
        %dma_wait3A_205 = arith.constant 1 : i32
        %dma_wait3A_206 = arith.constant 0 : i32
        %dma_wait3A_207 = arith.constant 0 : i32
        %dma_wait3A_208 = arith.constant 0 : i32
        %dma_wait3A_209 = tpu.memref_slice %arg7[%dma_wait3A_205, %dma_wait3A_207, %dma_wait3A_208] : memref<2x32x529xf32, #tpu.memory_space<vmem>> -> memref<1x32x512xf32, #tpu.memory_space<vmem>>
        %dma_wait3A_210 = tpu.memref_squeeze %dma_wait3A_209 : memref<1x32x512xf32, #tpu.memory_space<vmem>> -> memref<32x512xf32, #tpu.memory_space<vmem>>
        %dma_wait3A_211 = arith.constant 0 : i32
        %dma_wait3A_212 = tpu.memref_slice %arg4[%dma_wait3A_206, %dma_wait3A_211, %mul3A_2] : memref<50x32x16384xf32, #tpu.memory_space<hbm>> -> memref<1x32x512xf32, #tpu.memory_space<hbm>>
        %dma_wait3A_213 = tpu.memref_squeeze %dma_wait3A_212 : memref<1x32x512xf32, #tpu.memory_space<hbm>> -> memref<32x512xf32, #tpu.memory_space<hbm>>
        %dma_wait3A_214 = arith.constant 0 : i32
        %dma_wait3A_215 = tpu.memref_slice %arg4[%dma_wait3A_206, %dma_wait3A_214, %mul3A_2] : memref<50x32x16384xf32, #tpu.memory_space<hbm>> -> memref<1x32x512xf32, #tpu.memory_space<hbm>>
        %dma_wait3A_216 = tpu.memref_squeeze %dma_wait3A_215 : memref<1x32x512xf32, #tpu.memory_space<hbm>> -> memref<32x512xf32, #tpu.memory_space<hbm>>
        %dma_wait3A_217 = arith.constant 0 : i32
        %dma_wait3A_218 = arith.constant 0 : i32
        %dma_wait3A_219 = tpu.memref_slice %arg7[%dma_wait3A_205, %dma_wait3A_217, %dma_wait3A_218] : memref<2x32x529xf32, #tpu.memory_space<vmem>> -> memref<1x32x512xf32, #tpu.memory_space<vmem>>
        %dma_wait3A_220 = tpu.memref_squeeze %dma_wait3A_219 : memref<1x32x512xf32, #tpu.memory_space<vmem>> -> memref<32x512xf32, #tpu.memory_space<vmem>>
        tpu.wait_dma2 semaphore(%arg13 : memref<!tpu.dma_semaphore, #tpu.memory_space<semaphore_mem>>) src(%dma_wait3A_220 : memref<32x512xf32, #tpu.memory_space<vmem>>) dst(%dma_wait3A_216 : memref<32x512xf32, #tpu.memory_space<hbm>>)
      } else {
      }
      %scan3A_177 = arith.constant 0 : i32
      %scan3A_178 = arith.constant 0 : i32
      %scan3A_179 = arith.constant 512 : i32
      %scan3A_180 = arith.addi %scan3A_178, %scan3A_179 : i32
      %scan3A_181 = arith.constant 8 : i32
      scf.for %scan3A_205 = %scan3A_178 to %scan3A_180 step %scan3A_181  : i32 {
        %broadcast_in_dim3A = arith.constant 0 : i32
        %broadcast_in_dim3A_206 = vector.broadcast %broadcast_in_dim3A : i32 to vector<16xi32>
        %add3A_207 = vector.broadcast %scan3A_205 : i32 to vector<16xi32>
        %add3A_208 = arith.addi %broadcast_in_dim3A_206, %add3A_207 : vector<16xi32>
        %get3A = arith.constant 1 : i32
        %get3A_209 = arith.index_cast %get3A : i32 to index
        %get3A_210 = arith.index_cast %scan3A_205 : i32 to index
        %get3A_211 = arith.constant 0 : index
        %get3A_212 = tpu.vector_load %arg6[%get3A_209, %get3A_210, %get3A_211] {strides = array<i32>} : memref<2x512x32xf32, #tpu.memory_space<vmem>>, vector<16xf32>,
        %scatter3A = arith.constant 1 : i32
        %scatter3A_213 = arith.constant 0 : i32
        %scatter3A_214 = arith.constant 0 : i32
        %scatter3A_215 = tpu.memref_slice %arg7[%scatter3A, %scatter3A_213, %scatter3A_214] : memref<2x32x529xf32, #tpu.memory_space<vmem>> -> memref<1x32x529xf32, #tpu.memory_space<vmem>>
        %scatter3A_216 = tpu.memref_squeeze %scatter3A_215 : memref<1x32x529xf32, #tpu.memory_space<vmem>> -> memref<32x529xf32, #tpu.memory_space<vmem>>
        tpu.vector_store_idx %scatter3A_216[%iota3A, %add3A_208], %get3A_212 : memref<32x529xf32, #tpu.memory_space<vmem>>[vector<16xi32>, vector<16xi32>], vector<16xf32>,
        %get3A_217 = arith.constant 1 : i32
        %get3A_218 = arith.index_cast %get3A_217 : i32 to index
        %get3A_219 = arith.index_cast %scan3A_205 : i32 to index
        %get3A_220 = arith.constant 16 : index
        %get3A_221 = tpu.vector_load %arg6[%get3A_218, %get3A_219, %get3A_220] {strides = array<i32>} : memref<2x512x32xf32, #tpu.memory_space<vmem>>, vector<16xf32>,
        %scatter3A_222 = arith.constant 1 : i32
        %scatter3A_223 = arith.constant 0 : i32
        %scatter3A_224 = arith.constant 0 : i32
        %scatter3A_225 = tpu.memref_slice %arg7[%scatter3A_222, %scatter3A_223, %scatter3A_224] : memref<2x32x529xf32, #tpu.memory_space<vmem>> -> memref<1x32x529xf32, #tpu.memory_space<vmem>>
        %scatter3A_226 = tpu.memref_squeeze %scatter3A_225 : memref<1x32x529xf32, #tpu.memory_space<vmem>> -> memref<32x529xf32, #tpu.memory_space<vmem>>
        tpu.vector_store_idx %scatter3A_226[%add3A_5, %add3A_208], %get3A_221 : memref<32x529xf32, #tpu.memory_space<vmem>>[vector<16xi32>, vector<16xi32>], vector<16xf32>,
        %scan3A_227 = arith.constant 1 : i32
        %scan3A_228 = arith.addi %scan3A_205, %scan3A_227 : i32
        %broadcast_in_dim3A_229 = arith.constant 0 : i32
        %broadcast_in_dim3A_230 = vector.broadcast %broadcast_in_dim3A_229 : i32 to vector<16xi32>
        %add3A_231 = vector.broadcast %scan3A_228 : i32 to vector<16xi32>
        %add3A_232 = arith.addi %broadcast_in_dim3A_230, %add3A_231 : vector<16xi32>
        %get3A_233 = arith.constant 1 : i32
        %get3A_234 = arith.index_cast %get3A_233 : i32 to index
        %get3A_235 = arith.index_cast %scan3A_228 : i32 to index
        %get3A_236 = arith.constant 0 : index
        %get3A_237 = tpu.vector_load %arg6[%get3A_234, %get3A_235, %get3A_236] {strides = array<i32>} : memref<2x512x32xf32, #tpu.memory_space<vmem>>, vector<16xf32>,
        %scatter3A_238 = arith.constant 1 : i32
        %scatter3A_239 = arith.constant 0 : i32
        %scatter3A_240 = arith.constant 0 : i32
        %scatter3A_241 = tpu.memref_slice %arg7[%scatter3A_238, %scatter3A_239, %scatter3A_240] : memref<2x32x529xf32, #tpu.memory_space<vmem>> -> memref<1x32x529xf32, #tpu.memory_space<vmem>>
        %scatter3A_242 = tpu.memref_squeeze %scatter3A_241 : memref<1x32x529xf32, #tpu.memory_space<vmem>> -> memref<32x529xf32, #tpu.memory_space<vmem>>
        tpu.vector_store_idx %scatter3A_242[%iota3A, %add3A_232], %get3A_237 : memref<32x529xf32, #tpu.memory_space<vmem>>[vector<16xi32>, vector<16xi32>], vector<16xf32>,
        %get3A_243 = arith.constant 1 : i32
        %get3A_244 = arith.index_cast %get3A_243 : i32 to index
        %get3A_245 = arith.index_cast %scan3A_228 : i32 to index
        %get3A_246 = arith.constant 16 : index
        %get3A_247 = tpu.vector_load %arg6[%get3A_244, %get3A_245, %get3A_246] {strides = array<i32>} : memref<2x512x32xf32, #tpu.memory_space<vmem>>, vector<16xf32>,
        %scatter3A_248 = arith.constant 1 : i32
        %scatter3A_249 = arith.constant 0 : i32
        %scatter3A_250 = arith.constant 0 : i32
        %scatter3A_251 = tpu.memref_slice %arg7[%scatter3A_248, %scatter3A_249, %scatter3A_250] : memref<2x32x529xf32, #tpu.memory_space<vmem>> -> memref<1x32x529xf32, #tpu.memory_space<vmem>>
        %scatter3A_252 = tpu.memref_squeeze %scatter3A_251 : memref<1x32x529xf32, #tpu.memory_space<vmem>> -> memref<32x529xf32, #tpu.memory_space<vmem>>
        tpu.vector_store_idx %scatter3A_252[%add3A_5, %add3A_232], %get3A_247 : memref<32x529xf32, #tpu.memory_space<vmem>>[vector<16xi32>, vector<16xi32>], vector<16xf32>,
        %scan3A_253 = arith.constant 2 : i32
        %scan3A_254 = arith.addi %scan3A_205, %scan3A_253 : i32
        %broadcast_in_dim3A_255 = arith.constant 0 : i32
        %broadcast_in_dim3A_256 = vector.broadcast %broadcast_in_dim3A_255 : i32 to vector<16xi32>
        %add3A_257 = vector.broadcast %scan3A_254 : i32 to vector<16xi32>
        %add3A_258 = arith.addi %broadcast_in_dim3A_256, %add3A_257 : vector<16xi32>
        %get3A_259 = arith.constant 1 : i32
        %get3A_260 = arith.index_cast %get3A_259 : i32 to index
        %get3A_261 = arith.index_cast %scan3A_254 : i32 to index
        %get3A_262 = arith.constant 0 : index
        %get3A_263 = tpu.vector_load %arg6[%get3A_260, %get3A_261, %get3A_262] {strides = array<i32>} : memref<2x512x32xf32, #tpu.memory_space<vmem>>, vector<16xf32>,
        %scatter3A_264 = arith.constant 1 : i32
        %scatter3A_265 = arith.constant 0 : i32
        %scatter3A_266 = arith.constant 0 : i32
        %scatter3A_267 = tpu.memref_slice %arg7[%scatter3A_264, %scatter3A_265, %scatter3A_266] : memref<2x32x529xf32, #tpu.memory_space<vmem>> -> memref<1x32x529xf32, #tpu.memory_space<vmem>>
        %scatter3A_268 = tpu.memref_squeeze %scatter3A_267 : memref<1x32x529xf32, #tpu.memory_space<vmem>> -> memref<32x529xf32, #tpu.memory_space<vmem>>
        tpu.vector_store_idx %scatter3A_268[%iota3A, %add3A_258], %get3A_263 : memref<32x529xf32, #tpu.memory_space<vmem>>[vector<16xi32>, vector<16xi32>], vector<16xf32>,
        %get3A_269 = arith.constant 1 : i32
        %get3A_270 = arith.index_cast %get3A_269 : i32 to index
        %get3A_271 = arith.index_cast %scan3A_254 : i32 to index
        %get3A_272 = arith.constant 16 : index
        %get3A_273 = tpu.vector_load %arg6[%get3A_270, %get3A_271, %get3A_272] {strides = array<i32>} : memref<2x512x32xf32, #tpu.memory_space<vmem>>, vector<16xf32>,
        %scatter3A_274 = arith.constant 1 : i32
        %scatter3A_275 = arith.constant 0 : i32
        %scatter3A_276 = arith.constant 0 : i32
        %scatter3A_277 = tpu.memref_slice %arg7[%scatter3A_274, %scatter3A_275, %scatter3A_276] : memref<2x32x529xf32, #tpu.memory_space<vmem>> -> memref<1x32x529xf32, #tpu.memory_space<vmem>>
        %scatter3A_278 = tpu.memref_squeeze %scatter3A_277 : memref<1x32x529xf32, #tpu.memory_space<vmem>> -> memref<32x529xf32, #tpu.memory_space<vmem>>
        tpu.vector_store_idx %scatter3A_278[%add3A_5, %add3A_258], %get3A_273 : memref<32x529xf32, #tpu.memory_space<vmem>>[vector<16xi32>, vector<16xi32>], vector<16xf32>,
        %scan3A_279 = arith.constant 3 : i32
        %scan3A_280 = arith.addi %scan3A_205, %scan3A_279 : i32
        %broadcast_in_dim3A_281 = arith.constant 0 : i32
        %broadcast_in_dim3A_282 = vector.broadcast %broadcast_in_dim3A_281 : i32 to vector<16xi32>
        %add3A_283 = vector.broadcast %scan3A_280 : i32 to vector<16xi32>
        %add3A_284 = arith.addi %broadcast_in_dim3A_282, %add3A_283 : vector<16xi32>
        %get3A_285 = arith.constant 1 : i32
        %get3A_286 = arith.index_cast %get3A_285 : i32 to index
        %get3A_287 = arith.index_cast %scan3A_280 : i32 to index
        %get3A_288 = arith.constant 0 : index
        %get3A_289 = tpu.vector_load %arg6[%get3A_286, %get3A_287, %get3A_288] {strides = array<i32>} : memref<2x512x32xf32, #tpu.memory_space<vmem>>, vector<16xf32>,
        %scatter3A_290 = arith.constant 1 : i32
        %scatter3A_291 = arith.constant 0 : i32
        %scatter3A_292 = arith.constant 0 : i32
        %scatter3A_293 = tpu.memref_slice %arg7[%scatter3A_290, %scatter3A_291, %scatter3A_292] : memref<2x32x529xf32, #tpu.memory_space<vmem>> -> memref<1x32x529xf32, #tpu.memory_space<vmem>>
        %scatter3A_294 = tpu.memref_squeeze %scatter3A_293 : memref<1x32x529xf32, #tpu.memory_space<vmem>> -> memref<32x529xf32, #tpu.memory_space<vmem>>
        tpu.vector_store_idx %scatter3A_294[%iota3A, %add3A_284], %get3A_289 : memref<32x529xf32, #tpu.memory_space<vmem>>[vector<16xi32>, vector<16xi32>], vector<16xf32>,
        %get3A_295 = arith.constant 1 : i32
        %get3A_296 = arith.index_cast %get3A_295 : i32 to index
        %get3A_297 = arith.index_cast %scan3A_280 : i32 to index
        %get3A_298 = arith.constant 16 : index
        %get3A_299 = tpu.vector_load %arg6[%get3A_296, %get3A_297, %get3A_298] {strides = array<i32>} : memref<2x512x32xf32, #tpu.memory_space<vmem>>, vector<16xf32>,
        %scatter3A_300 = arith.constant 1 : i32
        %scatter3A_301 = arith.constant 0 : i32
        %scatter3A_302 = arith.constant 0 : i32
        %scatter3A_303 = tpu.memref_slice %arg7[%scatter3A_300, %scatter3A_301, %scatter3A_302] : memref<2x32x529xf32, #tpu.memory_space<vmem>> -> memref<1x32x529xf32, #tpu.memory_space<vmem>>
        %scatter3A_304 = tpu.memref_squeeze %scatter3A_303 : memref<1x32x529xf32, #tpu.memory_space<vmem>> -> memref<32x529xf32, #tpu.memory_space<vmem>>
        tpu.vector_store_idx %scatter3A_304[%add3A_5, %add3A_284], %get3A_299 : memref<32x529xf32, #tpu.memory_space<vmem>>[vector<16xi32>, vector<16xi32>], vector<16xf32>,
        %scan3A_305 = arith.constant 4 : i32
        %scan3A_306 = arith.addi %scan3A_205, %scan3A_305 : i32
        %broadcast_in_dim3A_307 = arith.constant 0 : i32
        %broadcast_in_dim3A_308 = vector.broadcast %broadcast_in_dim3A_307 : i32 to vector<16xi32>
        %add3A_309 = vector.broadcast %scan3A_306 : i32 to vector<16xi32>
        %add3A_310 = arith.addi %broadcast_in_dim3A_308, %add3A_309 : vector<16xi32>
        %get3A_311 = arith.constant 1 : i32
        %get3A_312 = arith.index_cast %get3A_311 : i32 to index
        %get3A_313 = arith.index_cast %scan3A_306 : i32 to index
        %get3A_314 = arith.constant 0 : index
        %get3A_315 = tpu.vector_load %arg6[%get3A_312, %get3A_313, %get3A_314] {strides = array<i32>} : memref<2x512x32xf32, #tpu.memory_space<vmem>>, vector<16xf32>,
        %scatter3A_316 = arith.constant 1 : i32
        %scatter3A_317 = arith.constant 0 : i32
        %scatter3A_318 = arith.constant 0 : i32
        %scatter3A_319 = tpu.memref_slice %arg7[%scatter3A_316, %scatter3A_317, %scatter3A_318] : memref<2x32x529xf32, #tpu.memory_space<vmem>> -> memref<1x32x529xf32, #tpu.memory_space<vmem>>
        %scatter3A_320 = tpu.memref_squeeze %scatter3A_319 : memref<1x32x529xf32, #tpu.memory_space<vmem>> -> memref<32x529xf32, #tpu.memory_space<vmem>>
        tpu.vector_store_idx %scatter3A_320[%iota3A, %add3A_310], %get3A_315 : memref<32x529xf32, #tpu.memory_space<vmem>>[vector<16xi32>, vector<16xi32>], vector<16xf32>,
        %get3A_321 = arith.constant 1 : i32
        %get3A_322 = arith.index_cast %get3A_321 : i32 to index
        %get3A_323 = arith.index_cast %scan3A_306 : i32 to index
        %get3A_324 = arith.constant 16 : index
        %get3A_325 = tpu.vector_load %arg6[%get3A_322, %get3A_323, %get3A_324] {strides = array<i32>} : memref<2x512x32xf32, #tpu.memory_space<vmem>>, vector<16xf32>,
        %scatter3A_326 = arith.constant 1 : i32
        %scatter3A_327 = arith.constant 0 : i32
        %scatter3A_328 = arith.constant 0 : i32
        %scatter3A_329 = tpu.memref_slice %arg7[%scatter3A_326, %scatter3A_327, %scatter3A_328] : memref<2x32x529xf32, #tpu.memory_space<vmem>> -> memref<1x32x529xf32, #tpu.memory_space<vmem>>
        %scatter3A_330 = tpu.memref_squeeze %scatter3A_329 : memref<1x32x529xf32, #tpu.memory_space<vmem>> -> memref<32x529xf32, #tpu.memory_space<vmem>>
        tpu.vector_store_idx %scatter3A_330[%add3A_5, %add3A_310], %get3A_325 : memref<32x529xf32, #tpu.memory_space<vmem>>[vector<16xi32>, vector<16xi32>], vector<16xf32>,
        %scan3A_331 = arith.constant 5 : i32
        %scan3A_332 = arith.addi %scan3A_205, %scan3A_331 : i32
        %broadcast_in_dim3A_333 = arith.constant 0 : i32
        %broadcast_in_dim3A_334 = vector.broadcast %broadcast_in_dim3A_333 : i32 to vector<16xi32>
        %add3A_335 = vector.broadcast %scan3A_332 : i32 to vector<16xi32>
        %add3A_336 = arith.addi %broadcast_in_dim3A_334, %add3A_335 : vector<16xi32>
        %get3A_337 = arith.constant 1 : i32
        %get3A_338 = arith.index_cast %get3A_337 : i32 to index
        %get3A_339 = arith.index_cast %scan3A_332 : i32 to index
        %get3A_340 = arith.constant 0 : index
        %get3A_341 = tpu.vector_load %arg6[%get3A_338, %get3A_339, %get3A_340] {strides = array<i32>} : memref<2x512x32xf32, #tpu.memory_space<vmem>>, vector<16xf32>,
        %scatter3A_342 = arith.constant 1 : i32
        %scatter3A_343 = arith.constant 0 : i32
        %scatter3A_344 = arith.constant 0 : i32
        %scatter3A_345 = tpu.memref_slice %arg7[%scatter3A_342, %scatter3A_343, %scatter3A_344] : memref<2x32x529xf32, #tpu.memory_space<vmem>> -> memref<1x32x529xf32, #tpu.memory_space<vmem>>
        %scatter3A_346 = tpu.memref_squeeze %scatter3A_345 : memref<1x32x529xf32, #tpu.memory_space<vmem>> -> memref<32x529xf32, #tpu.memory_space<vmem>>
        tpu.vector_store_idx %scatter3A_346[%iota3A, %add3A_336], %get3A_341 : memref<32x529xf32, #tpu.memory_space<vmem>>[vector<16xi32>, vector<16xi32>], vector<16xf32>,
        %get3A_347 = arith.constant 1 : i32
        %get3A_348 = arith.index_cast %get3A_347 : i32 to index
        %get3A_349 = arith.index_cast %scan3A_332 : i32 to index
        %get3A_350 = arith.constant 16 : index
        %get3A_351 = tpu.vector_load %arg6[%get3A_348, %get3A_349, %get3A_350] {strides = array<i32>} : memref<2x512x32xf32, #tpu.memory_space<vmem>>, vector<16xf32>,
        %scatter3A_352 = arith.constant 1 : i32
        %scatter3A_353 = arith.constant 0 : i32
        %scatter3A_354 = arith.constant 0 : i32
        %scatter3A_355 = tpu.memref_slice %arg7[%scatter3A_352, %scatter3A_353, %scatter3A_354] : memref<2x32x529xf32, #tpu.memory_space<vmem>> -> memref<1x32x529xf32, #tpu.memory_space<vmem>>
        %scatter3A_356 = tpu.memref_squeeze %scatter3A_355 : memref<1x32x529xf32, #tpu.memory_space<vmem>> -> memref<32x529xf32, #tpu.memory_space<vmem>>
        tpu.vector_store_idx %scatter3A_356[%add3A_5, %add3A_336], %get3A_351 : memref<32x529xf32, #tpu.memory_space<vmem>>[vector<16xi32>, vector<16xi32>], vector<16xf32>,
        %scan3A_357 = arith.constant 6 : i32
        %scan3A_358 = arith.addi %scan3A_205, %scan3A_357 : i32
        %broadcast_in_dim3A_359 = arith.constant 0 : i32
        %broadcast_in_dim3A_360 = vector.broadcast %broadcast_in_dim3A_359 : i32 to vector<16xi32>
        %add3A_361 = vector.broadcast %scan3A_358 : i32 to vector<16xi32>
        %add3A_362 = arith.addi %broadcast_in_dim3A_360, %add3A_361 : vector<16xi32>
        %get3A_363 = arith.constant 1 : i32
        %get3A_364 = arith.index_cast %get3A_363 : i32 to index
        %get3A_365 = arith.index_cast %scan3A_358 : i32 to index
        %get3A_366 = arith.constant 0 : index
        %get3A_367 = tpu.vector_load %arg6[%get3A_364, %get3A_365, %get3A_366] {strides = array<i32>} : memref<2x512x32xf32, #tpu.memory_space<vmem>>, vector<16xf32>,
        %scatter3A_368 = arith.constant 1 : i32
        %scatter3A_369 = arith.constant 0 : i32
        %scatter3A_370 = arith.constant 0 : i32
        %scatter3A_371 = tpu.memref_slice %arg7[%scatter3A_368, %scatter3A_369, %scatter3A_370] : memref<2x32x529xf32, #tpu.memory_space<vmem>> -> memref<1x32x529xf32, #tpu.memory_space<vmem>>
        %scatter3A_372 = tpu.memref_squeeze %scatter3A_371 : memref<1x32x529xf32, #tpu.memory_space<vmem>> -> memref<32x529xf32, #tpu.memory_space<vmem>>
        tpu.vector_store_idx %scatter3A_372[%iota3A, %add3A_362], %get3A_367 : memref<32x529xf32, #tpu.memory_space<vmem>>[vector<16xi32>, vector<16xi32>], vector<16xf32>,
        %get3A_373 = arith.constant 1 : i32
        %get3A_374 = arith.index_cast %get3A_373 : i32 to index
        %get3A_375 = arith.index_cast %scan3A_358 : i32 to index
        %get3A_376 = arith.constant 16 : index
        %get3A_377 = tpu.vector_load %arg6[%get3A_374, %get3A_375, %get3A_376] {strides = array<i32>} : memref<2x512x32xf32, #tpu.memory_space<vmem>>, vector<16xf32>,
        %scatter3A_378 = arith.constant 1 : i32
        %scatter3A_379 = arith.constant 0 : i32
        %scatter3A_380 = arith.constant 0 : i32
        %scatter3A_381 = tpu.memref_slice %arg7[%scatter3A_378, %scatter3A_379, %scatter3A_380] : memref<2x32x529xf32, #tpu.memory_space<vmem>> -> memref<1x32x529xf32, #tpu.memory_space<vmem>>
        %scatter3A_382 = tpu.memref_squeeze %scatter3A_381 : memref<1x32x529xf32, #tpu.memory_space<vmem>> -> memref<32x529xf32, #tpu.memory_space<vmem>>
        tpu.vector_store_idx %scatter3A_382[%add3A_5, %add3A_362], %get3A_377 : memref<32x529xf32, #tpu.memory_space<vmem>>[vector<16xi32>, vector<16xi32>], vector<16xf32>,
        %scan3A_383 = arith.constant 7 : i32
        %scan3A_384 = arith.addi %scan3A_205, %scan3A_383 : i32
        %broadcast_in_dim3A_385 = arith.constant 0 : i32
        %broadcast_in_dim3A_386 = vector.broadcast %broadcast_in_dim3A_385 : i32 to vector<16xi32>
        %add3A_387 = vector.broadcast %scan3A_384 : i32 to vector<16xi32>
        %add3A_388 = arith.addi %broadcast_in_dim3A_386, %add3A_387 : vector<16xi32>
        %get3A_389 = arith.constant 1 : i32
        %get3A_390 = arith.index_cast %get3A_389 : i32 to index
        %get3A_391 = arith.index_cast %scan3A_384 : i32 to index
        %get3A_392 = arith.constant 0 : index
        %get3A_393 = tpu.vector_load %arg6[%get3A_390, %get3A_391, %get3A_392] {strides = array<i32>} : memref<2x512x32xf32, #tpu.memory_space<vmem>>, vector<16xf32>,
        %scatter3A_394 = arith.constant 1 : i32
        %scatter3A_395 = arith.constant 0 : i32
        %scatter3A_396 = arith.constant 0 : i32
        %scatter3A_397 = tpu.memref_slice %arg7[%scatter3A_394, %scatter3A_395, %scatter3A_396] : memref<2x32x529xf32, #tpu.memory_space<vmem>> -> memref<1x32x529xf32, #tpu.memory_space<vmem>>
        %scatter3A_398 = tpu.memref_squeeze %scatter3A_397 : memref<1x32x529xf32, #tpu.memory_space<vmem>> -> memref<32x529xf32, #tpu.memory_space<vmem>>
        tpu.vector_store_idx %scatter3A_398[%iota3A, %add3A_388], %get3A_393 : memref<32x529xf32, #tpu.memory_space<vmem>>[vector<16xi32>, vector<16xi32>], vector<16xf32>,
        %get3A_399 = arith.constant 1 : i32
        %get3A_400 = arith.index_cast %get3A_399 : i32 to index
        %get3A_401 = arith.index_cast %scan3A_384 : i32 to index
        %get3A_402 = arith.constant 16 : index
        %get3A_403 = tpu.vector_load %arg6[%get3A_400, %get3A_401, %get3A_402] {strides = array<i32>} : memref<2x512x32xf32, #tpu.memory_space<vmem>>, vector<16xf32>,
        %scatter3A_404 = arith.constant 1 : i32
        %scatter3A_405 = arith.constant 0 : i32
        %scatter3A_406 = arith.constant 0 : i32
        %scatter3A_407 = tpu.memref_slice %arg7[%scatter3A_404, %scatter3A_405, %scatter3A_406] : memref<2x32x529xf32, #tpu.memory_space<vmem>> -> memref<1x32x529xf32, #tpu.memory_space<vmem>>
        %scatter3A_408 = tpu.memref_squeeze %scatter3A_407 : memref<1x32x529xf32, #tpu.memory_space<vmem>> -> memref<32x529xf32, #tpu.memory_space<vmem>>
        tpu.vector_store_idx %scatter3A_408[%add3A_5, %add3A_388], %get3A_403 : memref<32x529xf32, #tpu.memory_space<vmem>>[vector<16xi32>, vector<16xi32>], vector<16xf32>,
      }
      %scan3A_182 = arith.constant 512 : i32
      %add3A_183 = arith.constant 1 : i32
      %add3A_184 = arith.addi %mul3A_91, %add3A_183 : i32
      %dma_start3A_185 = arith.constant 1 : i32
      %dma_start3A_186 = arith.constant 0 : i32
      %dma_start3A_187 = arith.constant 0 : i32
      %dma_start3A_188 = tpu.memref_slice %arg7[%dma_start3A_185, %dma_start3A_186, %dma_start3A_187] : memref<2x32x529xf32, #tpu.memory_space<vmem>> -> memref<1x32x512xf32, #tpu.memory_space<vmem>>
      %dma_start3A_189 = tpu.memref_squeeze %dma_start3A_188 : memref<1x32x512xf32, #tpu.memory_space<vmem>> -> memref<32x512xf32, #tpu.memory_space<vmem>>
      %dma_start3A_190 = arith.constant 0 : i32
      %dma_start3A_191 = tpu.memref_slice %arg4[%add3A_184, %dma_start3A_190, %mul3A_2] : memref<50x32x16384xf32, #tpu.memory_space<hbm>> -> memref<1x32x512xf32, #tpu.memory_space<hbm>>
      %dma_start3A_192 = tpu.memref_squeeze %dma_start3A_191 : memref<1x32x512xf32, #tpu.memory_space<hbm>> -> memref<32x512xf32, #tpu.memory_space<hbm>>
      %dma_start3A_193 = arith.constant 0 : i32
      %dma_start3A_194 = tpu.memref_slice %arg4[%add3A_184, %dma_start3A_193, %mul3A_2] : memref<50x32x16384xf32, #tpu.memory_space<hbm>> -> memref<1x32x512xf32, #tpu.memory_space<hbm>>
      %dma_start3A_195 = tpu.memref_squeeze %dma_start3A_194 : memref<1x32x512xf32, #tpu.memory_space<hbm>> -> memref<32x512xf32, #tpu.memory_space<hbm>>
      %dma_start3A_196 = arith.constant 0 : i32
      %dma_start3A_197 = arith.constant 0 : i32
      %dma_start3A_198 = tpu.memref_slice %arg7[%dma_start3A_185, %dma_start3A_196, %dma_start3A_197] : memref<2x32x529xf32, #tpu.memory_space<vmem>> -> memref<1x32x512xf32, #tpu.memory_space<vmem>>
      %dma_start3A_199 = tpu.memref_squeeze %dma_start3A_198 : memref<1x32x512xf32, #tpu.memory_space<vmem>> -> memref<32x512xf32, #tpu.memory_space<vmem>>
      tpu.enqueue_dma source(%dma_start3A_199 : memref<32x512xf32, #tpu.memory_space<vmem>>) target(%dma_start3A_195 : memref<32x512xf32, #tpu.memory_space<hbm>>) target_semaphore(%arg13 : memref<!tpu.dma_semaphore, #tpu.memory_space<semaphore_mem>>)
      %lt3A_200 = arith.constant 24 : i32
      %lt3A_201 = arith.cmpi slt, %scan3A_89, %lt3A_200 : i32
      %convert_element_type3A_202 = arith.extui %lt3A_201 : i1 to i32
      %cond3A_203 = arith.constant 0 : i32
      %cond3A_204 = arith.cmpi ne, %convert_element_type3A_202, %cond3A_203 : i32
      scf.if %cond3A_204 {
        %add3A_205 = arith.constant 3 : i32
        %add3A_206 = arith.addi %mul3A_91, %add3A_205 : i32
        %dma_start3A_207 = arith.constant 1 : i32
        %dma_start3A_208 = arith.constant 0 : i32
        %dma_start3A_209 = tpu.memref_slice %arg5[%dma_start3A_207, %dma_start3A_208] : memref<2x512xi32, #tpu.memory_space<vmem>> -> memref<1x512xi32, #tpu.memory_space<vmem>>
        %dma_start3A_210 = tpu.memref_squeeze %dma_start3A_209 : memref<1x512xi32, #tpu.memory_space<vmem>> -> memref<512xi32, #tpu.memory_space<vmem>>
        %dma_start3A_211 = tpu.memref_slice %arg3[%add3A_206, %mul3A_2] : memref<50x16384xi32, #tpu.memory_space<hbm>> -> memref<1x512xi32, #tpu.memory_space<hbm>>
        %dma_start3A_212 = tpu.memref_squeeze %dma_start3A_211 : memref<1x512xi32, #tpu.memory_space<hbm>> -> memref<512xi32, #tpu.memory_space<hbm>>
        %dma_start3A_213 = arith.constant 0 : i32
        %dma_start3A_214 = tpu.memref_slice %arg5[%dma_start3A_207, %dma_start3A_213] : memref<2x512xi32, #tpu.memory_space<vmem>> -> memref<1x512xi32, #tpu.memory_space<vmem>>
        %dma_start3A_215 = tpu.memref_squeeze %dma_start3A_214 : memref<1x512xi32, #tpu.memory_space<vmem>> -> memref<512xi32, #tpu.memory_space<vmem>>
        %dma_start3A_216 = tpu.memref_slice %arg3[%add3A_206, %mul3A_2] : memref<50x16384xi32, #tpu.memory_space<hbm>> -> memref<1x512xi32, #tpu.memory_space<hbm>>
        %dma_start3A_217 = tpu.memref_squeeze %dma_start3A_216 : memref<1x512xi32, #tpu.memory_space<hbm>> -> memref<512xi32, #tpu.memory_space<hbm>>
        tpu.enqueue_dma source(%dma_start3A_217 : memref<512xi32, #tpu.memory_space<hbm>>) target(%dma_start3A_215 : memref<512xi32, #tpu.memory_space<vmem>>) target_semaphore(%arg9 : memref<!tpu.dma_semaphore, #tpu.memory_space<semaphore_mem>>)
      } else {
      }
    }
    %scan3A_56 = arith.constant 25 : i32
    %dma_wait3A_57 = arith.constant 0 : i32
    %dma_wait3A_58 = arith.constant 0 : i32
    %dma_wait3A_59 = arith.constant 0 : i32
    %dma_wait3A_60 = arith.constant 0 : i32
    %dma_wait3A_61 = tpu.memref_slice %arg7[%dma_wait3A_57, %dma_wait3A_59, %dma_wait3A_60] : memref<2x32x529xf32, #tpu.memory_space<vmem>> -> memref<1x32x512xf32, #tpu.memory_space<vmem>>
    %dma_wait3A_62 = tpu.memref_squeeze %dma_wait3A_61 : memref<1x32x512xf32, #tpu.memory_space<vmem>> -> memref<32x512xf32, #tpu.memory_space<vmem>>
    %dma_wait3A_63 = arith.constant 0 : i32
    %dma_wait3A_64 = tpu.memref_slice %arg4[%dma_wait3A_58, %dma_wait3A_63, %mul3A_2] : memref<50x32x16384xf32, #tpu.memory_space<hbm>> -> memref<1x32x512xf32, #tpu.memory_space<hbm>>
    %dma_wait3A_65 = tpu.memref_squeeze %dma_wait3A_64 : memref<1x32x512xf32, #tpu.memory_space<hbm>> -> memref<32x512xf32, #tpu.memory_space<hbm>>
    %dma_wait3A_66 = arith.constant 0 : i32
    %dma_wait3A_67 = tpu.memref_slice %arg4[%dma_wait3A_58, %dma_wait3A_66, %mul3A_2] : memref<50x32x16384xf32, #tpu.memory_space<hbm>> -> memref<1x32x512xf32, #tpu.memory_space<hbm>>
    %dma_wait3A_68 = tpu.memref_squeeze %dma_wait3A_67 : memref<1x32x512xf32, #tpu.memory_space<hbm>> -> memref<32x512xf32, #tpu.memory_space<hbm>>
    %dma_wait3A_69 = arith.constant 0 : i32
    %dma_wait3A_70 = arith.constant 0 : i32
    %dma_wait3A_71 = tpu.memref_slice %arg7[%dma_wait3A_57, %dma_wait3A_69, %dma_wait3A_70] : memref<2x32x529xf32, #tpu.memory_space<vmem>> -> memref<1x32x512xf32, #tpu.memory_space<vmem>>
    %dma_wait3A_72 = tpu.memref_squeeze %dma_wait3A_71 : memref<1x32x512xf32, #tpu.memory_space<vmem>> -> memref<32x512xf32, #tpu.memory_space<vmem>>
    tpu.wait_dma2 semaphore(%arg12 : memref<!tpu.dma_semaphore, #tpu.memory_space<semaphore_mem>>) src(%dma_wait3A_72 : memref<32x512xf32, #tpu.memory_space<vmem>>) dst(%dma_wait3A_68 : memref<32x512xf32, #tpu.memory_space<hbm>>)
    %dma_wait3A_73 = arith.constant 1 : i32
    %dma_wait3A_74 = arith.constant 0 : i32
    %dma_wait3A_75 = arith.constant 0 : i32
    %dma_wait3A_76 = arith.constant 0 : i32
    %dma_wait3A_77 = tpu.memref_slice %arg7[%dma_wait3A_73, %dma_wait3A_75, %dma_wait3A_76] : memref<2x32x529xf32, #tpu.memory_space<vmem>> -> memref<1x32x512xf32, #tpu.memory_space<vmem>>
    %dma_wait3A_78 = tpu.memref_squeeze %dma_wait3A_77 : memref<1x32x512xf32, #tpu.memory_space<vmem>> -> memref<32x512xf32, #tpu.memory_space<vmem>>
    %dma_wait3A_79 = arith.constant 0 : i32
    %dma_wait3A_80 = tpu.memref_slice %arg4[%dma_wait3A_74, %dma_wait3A_79, %mul3A_2] : memref<50x32x16384xf32, #tpu.memory_space<hbm>> -> memref<1x32x512xf32, #tpu.memory_space<hbm>>
    %dma_wait3A_81 = tpu.memref_squeeze %dma_wait3A_80 : memref<1x32x512xf32, #tpu.memory_space<hbm>> -> memref<32x512xf32, #tpu.memory_space<hbm>>
    %dma_wait3A_82 = arith.constant 0 : i32
    %dma_wait3A_83 = tpu.memref_slice %arg4[%dma_wait3A_74, %dma_wait3A_82, %mul3A_2] : memref<50x32x16384xf32, #tpu.memory_space<hbm>> -> memref<1x32x512xf32, #tpu.memory_space<hbm>>
    %dma_wait3A_84 = tpu.memref_squeeze %dma_wait3A_83 : memref<1x32x512xf32, #tpu.memory_space<hbm>> -> memref<32x512xf32, #tpu.memory_space<hbm>>
    %dma_wait3A_85 = arith.constant 0 : i32
    %dma_wait3A_86 = arith.constant 0 : i32
    %dma_wait3A_87 = tpu.memref_slice %arg7[%dma_wait3A_73, %dma_wait3A_85, %dma_wait3A_86] : memref<2x32x529xf32, #tpu.memory_space<vmem>> -> memref<1x32x512xf32, #tpu.memory_space<vmem>>
    %dma_wait3A_88 = tpu.memref_squeeze %dma_wait3A_87 : memref<1x32x512xf32, #tpu.memory_space<vmem>> -> memref<32x512xf32, #tpu.memory_space<vmem>>
    tpu.wait_dma2 semaphore(%arg13 : memref<!tpu.dma_semaphore, #tpu.memory_space<semaphore_mem>>) src(%dma_wait3A_88 : memref<32x512xf32, #tpu.memory_space<vmem>>) dst(%dma_wait3A_84 : memref<32x512xf32, #tpu.memory_space<hbm>>)
    return
  }
}

</mosaic_0001>

<sc_bundles>
// kernel: _gather.3.cloned.1.call-start
scs
__scs_entry_jumppad:
0x0: {  	(pc) =	sbr.rel $0x88, $3  }
0x1: {  	(tag) =	ssettag $0x0;
	lr =	simm.s32 $0x1  }
0x2: {  	[smem:$0x3F9F] =	sst lr;
	_ =	strace $0xD0000000  }
0x3: {  	_ = 	snop  }
0x4: {  	_ = 	snop  }
0x5: {  	_ = 	snop  }
0x6: {  	_ = 	snop  }
0x7: {  	_ = 	snop  }
__scs_overlays_trampoline_lowered:
0x8: {  	[smem:$0x3FAE] =	sst s0  }
0x9: {  	[smem:$0x3FAF] =	sst s1  }
0xa: {  	[smem:$0x3FB0] =	sst s2  }
0xb: {  	[smem:$0x3FB1] =	sst s3  }
0xc: {  	[smem:$0x3FB2] =	sst s4  }
0xd: {  	[smem:$0x3FB3] =	sst s5  }
0xe: {  	[smem:$0x3FB4] =	sst s6  }
0xf: {  	[smem:$0x3FB5] =	sst s7  }
0x10: {  	[smem:$0x3FB6] =	sst s8  }
0x11: {  	[smem:$0x3FB7] =	sst s9;
	s0 =	simm.s32 @!p0 $0x0  }
0x12: {  	s1 =	sld [smem:$0x3F9D];
	s0 =	simm.s32 @p0 $0x1  }
0x13: {  	[smem:$0x3FB8] =	sst s0;
	s0 =	simm.s32 @!p1 $0x0  }
0x14: {  	s2 =	sld [smem:$0x3F9C];
	s0 =	simm.s32 @p1 $0x1  }
0x15: {  	[smem:$0x3FB9] =	sst s0;
	s0 =	simm.s32 @!p2 $0x0  }
0x16: {  	s3 =	sld [smem:$0x3FDB];
	s0 =	simm.s32 @p2 $0x1  }
0x17: {  	s4 =	simm.s32 $0x1BF5;
	[smem:$0x3FBB] =	sst s0  }
0x18: {  	s0 =	sld [smem:$0x3F9E];
	_ =	swait.ge [sflag:s4], $0x0  }
0x19: {  	s7 =	sld [smem:$0x3F9F]  }
0x1a: {  	s8 =	sadd.s32 $0xFFFFE003, lr  }
0x1b: {  	s9 =	sadd.s32 $0xFFFFFEF7, lr;
	s5 =	simm.s32 $0xFFFFFFFF;
	p2 =	slt.u32 s8, $0xFFFFF086  }
0x1c: {  	p1 =	slt.u32 s9, $0xF7A;
	s5 =	simm.s32 @!p2 $0x0  }
0x1d: {  	s5 =	simm.s32 @p1 $0x1;
	p0 =	seq.s32 s7, s2  }
0x1e: {  	s7 =	smul.u32 @!p0 $0xF7A, s2;
	p2 =	seq.s32 @!p0 s5, $0x0  }
0x1f: {  	s9 =	smul.u32 $0xF7A, s1;
	s8 =	simm.s32 @!p0 $0x1BF5;
	p2 =	por !p2, p0  }
0x20: {  	[sflag:s8] =	ssyncset.s32 @!p0 $0xFFFFF086;
	s6 =	sadd.s32 @!p0 s3, s7;
	s7 =	simm.s32 @!p0 $0x108  }
0x21: {  	s3 =	sadd.s32 s3, s9;
	s6 =	sadd.s32 @!p0 $0x88, s6;
	s7 =	simm.s32 @p2 $0x1082  }
0x22: {  	[simem:s7], [sflag:s8] =	dma.local @!p0 [hbm:s6], $0xF7A  }
0x23: {  	s9 =	sor.u32 $0xD0000000, s2;
	s6 =	simm.s32 $0x108;
	_ =	swait.ge @!p0 [sflag:s8], $0x0  }
0x24: {  	s3 =	sadd.s32 $0x88, s3;
	s6 =	simm.s32 @!p1 $0x1082;
	[sflag:s4] =	ssyncset.s32 $0xFFFFF086  }
0x25: {  	[simem:s6], [sflag:s4] =	dma.local [hbm:s3], $0xF7A  }
0x26: {  	[smem:$0x3F9F] =	sst s1;
	(tag) =	ssettag s2;
	_ =	strace s9  }
0x27: {  	s1 =	sld [smem:$0x3FAF]  }
0x28: {  	s2 =	sld [smem:$0x3FB0]  }
0x29: {  	s4 =	sld [smem:$0x3FB2]  }
0x2a: {  	p0 =	seq.s32 s5, $0x0;
	s5 =	sld [smem:$0x3FB3]  }
0x2b: {  	s6 =	sld [smem:$0x3FB4]  }
0x2c: {  	s7 =	sld [smem:$0x3FB5]  }
0x2d: {  	s3 =	simm.s32 $0x108;
	s8 =	sld [smem:$0x3FB6]  }
0x2e: {  	s3 =	simm.s32 @!p0 $0x1082;
	s9 =	sld [smem:$0x3FB7]  }
0x2f: {  	lr =	sadd.s32 s0, s3;
	s0 =	sld [smem:$0x3FAE]  }
0x30: {  	s3 =	sld [smem:$0x3FB1]  }
0x31: {  	[smem:$0x3FBA] =	sst s10  }
0x32: {  	s10 =	sld [smem:$0x3FB8];
	_ =	sdelay $0x3  }
0x33: {  	p0 =	seq.s32 s10, $0x1;
	s10 =	sld [smem:$0x3FBA];
	_ =	sdelay $0x3  }
0x34: {  	[smem:$0x3FBA] =	sst s10  }
0x35: {  	s10 =	sld [smem:$0x3FB9];
	_ =	sdelay $0x3  }
0x36: {  	p1 =	seq.s32 s10, $0x1;
	s10 =	sld [smem:$0x3FBA];
	_ =	sdelay $0x3  }
0x37: {  	[smem:$0x3FBA] =	sst s10  }
0x38: {  	s10 =	sld [smem:$0x3FBB]  }
0x39: {  	_ = 	snop;
	(pc) =	sbr.ind lr, $3  }
0x3a: {  	_ = 	snop  }
0x3b: {  	_ = 	snop  }
0x3c: {  	p2 =	seq.s32 s10, $0x1;
	s10 =	sld [smem:$0x3FBA]  }
0x3d: {  	_ =	shalt  }
0x3e: {  	_ =	shalt  }
0x3f: {  	_ =	shalt  }
0x40: {  	_ =	shalt  }
0x41: {  	_ =	shalt  }
0x42: {  	_ =	shalt  }
0x43: {  	_ =	shalt  }
0x44: {  	_ =	shalt  }
0x45: {  	_ =	shalt  }
0x46: {  	_ =	shalt  }
0x47: {  	_ =	shalt  }
0x48: {  	_ =	shalt  }
0x49: {  	_ =	shalt  }
0x4a: {  	_ =	shalt  }
0x4b: {  	_ =	shalt  }
0x4c: {  	_ =	shalt  }
0x4d: {  	_ =	shalt  }
0x4e: {  	_ =	shalt  }
0x4f: {  	_ =	shalt  }
0x50: {  	_ =	shalt  }
0x51: {  	_ =	shalt  }
0x52: {  	_ =	shalt  }
0x53: {  	_ =	shalt  }
0x54: {  	_ =	shalt  }
0x55: {  	_ =	shalt  }
0x56: {  	_ =	shalt  }
0x57: {  	_ =	shalt  }
0x58: {  	_ =	shalt  }
0x59: {  	_ =	shalt  }
0x5a: {  	_ =	shalt  }
0x5b: {  	_ =	shalt  }
0x5c: {  	_ =	shalt  }
0x5d: {  	_ =	shalt  }
0x5e: {  	_ =	shalt  }
0x5f: {  	_ =	shalt  }
0x60: {  	_ =	shalt  }
0x61: {  	_ =	shalt  }
0x62: {  	_ =	shalt  }
0x63: {  	_ =	shalt  }
0x64: {  	_ =	shalt  }
0x65: {  	_ =	shalt  }
0x66: {  	_ =	shalt  }
0x67: {  	_ =	shalt  }
0x68: {  	_ =	shalt  }
0x69: {  	_ =	shalt  }
0x6a: {  	_ =	shalt  }
0x6b: {  	_ =	shalt  }
0x6c: {  	_ =	shalt  }
0x6d: {  	_ =	shalt  }
0x6e: {  	_ =	shalt  }
0x6f: {  	_ =	shalt  }
0x70: {  	_ =	shalt  }
0x71: {  	_ =	shalt  }
0x72: {  	_ =	shalt  }
0x73: {  	_ =	shalt  }
0x74: {  	_ =	shalt  }
0x75: {  	_ =	shalt  }
0x76: {  	_ =	shalt  }
0x77: {  	_ =	shalt  }
0x78: {  	_ =	shalt  }
0x79: {  	_ =	shalt  }
0x7a: {  	_ =	shalt  }
0x7b: {  	_ =	shalt  }
0x7c: {  	_ =	shalt  }
0x7d: {  	_ =	shalt  }
0x7e: {  	_ =	shalt  }
0x7f: {  	_ =	shalt  }
0x80: {  	_ =	shalt  }
0x81: {  	_ =	shalt  }
0x82: {  	_ =	shalt  }
0x83: {  	_ =	shalt  }
0x84: {  	_ =	shalt  }
0x85: {  	_ =	shalt  }
0x86: {  	_ =	shalt  }
0x87: {  	_ =	shalt  }
.Lfunc_end0:
.L_simem_size_0:
called_computation_lowered:
.L_overlay_start_0:
0x88: {  	s2 =	sld [smem:$0x3FD9]  }
0x89: {  	s3 =	sld [smem:$0x3FFE];
	_ =	sdelay $0x1  }
0x8a: {  	s1 =	srdreg.scid  }
0x8b: {  	s0 =	sand.u32 $0x1, s1  }
0x8c: {  	s17 =	sshll.u32 s0, $0xA;
	s2 =	sadd.s32 s3, s2  }
0x8d: {  	s2 =	sadd.s32 s2, s17  }
0x8e: {  	[smem:$0x3FC6] =	sst s2  }
0x8f: {  	_ = 	snop  }
0x90: {  	s2 =	sld [smem:$0x3FD0];
	(tm) =	ssettm $0x1  }
0x91: {  	s18 =	sld [smem:$0x3FFB];
	_ =	sdelay $0x3  }
0x92: {  	_ =	strace s18  }
0x93: {  	s3 =	sld [smem:$0x3FFC];
	_ =	sdelay $0x3  }
0x94: {  	_ =	strace s3  }
0x95: {  	s3 =	sld [smem:$0x3FFD];
	_ =	sdelay $0x3  }
0x96: {  	_ =	strace s3  }
0x97: {  	_ =	strace $0x8FFFFFFF  }
0x98: {  	s19 =	sld [smem:$0x3FDB];
	_ =	sdelay $0x1  }
0x99: {  	s4 =	simm.s32 $_scs_section_size  }
0x9a: {  	s5 =	simm.s32 $_size__tile_overlayer_lowered;
	s6 =	simm.s32 $_tile_overlayer_lowered  }
0x9b: {  	s22 =	simm.s32 $0x1BFF;
	s21 =	sshll.u32 s6, $0x1;
	s3 =	sadd.s32 s4, s19  }
0x9c: {  	s7 =	simm.s32 $0x0;
	s20 =	sshll.u32 s5, $0x1;
	s5 =	sadd.s32 s21, s3  }
0x9d: {  	[timem:s7], [sflag:s22] =	dma.local [hbm:s5], s20  }
0x9e: {  	_ =	swait.ge [sflag:s22], s20  }
0x9f: {  	s4 =	ssub.s32 $0x0, s20;
	[sflag:s22] =	ssyncset.done $0x0  }
0xa0: {  	[sflag:s22] =	ssyncadd.s32 s4;
	_ =	sdelay $0x1  }
0xa1: {  	s23 =	simm.s32 $0x1B8B  }
0xa2: {  	_ =	swait.ge [sflag:s23], $0x1  }
0xa3: {  	[sflag:s23] =	ssyncset.done $0x0  }
0xa4: {  	s25 =	simm.s32 $0x1B8E;
	s24 =	sld [smem:$0x3FFE];
	[sflag:s23] =	ssyncadd.s32 $0xFFFFFFFF  }
0xa5: {  	s26 =	simm.s32 $execute0_lowered;
	[smem:$0x3FD2] =	sst s25  }
0xa6: {  	s5 =	sshll.u32 s26, $0x1;
	_ =	strace $0x80000046;
	[dreg:$0x1] =	wrdreg $0xFFFFFFFF  }
0xa7: {  	s28 =	simm.s32 $_size_execute0_lowered;
	s3 =	sadd.s32 s3, s5;
	[dreg:$0x0] =	wrdreg $0x0  }
0xa8: {  	s5 =	sshll.u32 s28, $0x1;
	[dreg:$0x2] =	wrdreg s3  }
0xa9: {  	[dreg:$0x3] =	wrdreg s5  }
0xaa: {  	[dreg:$0x4] =	wrdreg $0xC0  }
0xab: {  	_ =	task [dreg:s7], $0x5FFFF  }
0xac: {  	[dreg:$0x1] =	wrdreg $0xFFFFFFFF  }
0xad: {  	[dreg:$0x0] =	wrdreg $0x60  }
0xae: {  	[dreg:$0x2] =	wrdreg s24  }
0xaf: {  	[dreg:$0x3] =	wrdreg s2  }
0xb0: {  	[dreg:$0x4] =	wrdreg $0x9  }
0xb1: {  	_ =	task.clear_ibuf [dreg:s7], $0x5FFFF;
	_ =	strace $0x90000046  }
0xb2: {  	s29 =	simm.s32 $0x9;
	_ =	strace $0x80000048  }
0xb3: {  	_ =	swait.ge [sflag:s29], $0x1  }
0xb4: {  	[sflag:s29] =	ssyncadd.s32 $0xFFFFFFFF  }
0xb5: {  	_ =	strace $0x90000048  }
0xb6: {  	_ =	sfence  }
0xb7: {  	s30 =	sld [smem:$0x0];
	_ =	sdelay $0x2  }
0xb8: {  	s31 =	sshll.u32 s1, $0xD;
	s1 =	sshrl.u32 s1, $0x2  }
0xb9: {  	s3 =	sand.u32 $0x4000, s31;
	s1 =	sadd.s32 s1, s30  }
0xba: {  	s0 =	sor.u32 s3, s0;
	s1 =	sshll.u32 s1, $0x11  }
0xbb: {  	s0 =	sor.u32 s1, s0  }
0xbc: {  	s0 =	sadd.s32 $0x8F2B, s0  }
0xbd: {  	[sflag:s0] =	ssyncadd.remote.s32 $0x1  }
0xbe: {  	_ =	sfence.sel $0xFFFF  }
0xbf: {  	[dreg:$0x0] =	wrdreg $0xFFFFFFFF;
	(pc) =	sbr.abs _section_cstart, $3  }
0xc0: {  	[dreg:$0x1] =	wrdreg $0xFFFFFFFF  }
0xc1: {  	_ =	task.clear_ibuf [dreg:s7], $0x2FFFF;
	_ =	strace $0x9FFFFFFF  }
0xc2: {  	(tm) =	ssettm $0x7FFFFFFF  }
0xc3: {  	_ =	shalt  }
tec
execute0_lowered:
.L_overlay_start_1:
0x0: {  	(tag) =	ssettag $0x1  }
0x1: {  	s0 =	rddreg [dreg:$0x0]  }
0x2: {  	s2 =	rddreg [dreg:$0x1];
	s1 =	srdreg.scid  }
0x3: {  	s3 =	simm.s32 $0x0;
	s4 =	stileid.u32;
	s13 =	simm.s32 $0x1  }
0x4: {  	s14 =	simm.s32 $0x200;
	s15 =	simm.s32 $0x400;
	s16 =	simm.s32 $0x2  }
0x5: {  	s17 =	simm.s32 $0x4400;
	s18 =	simm.s32 $0x3;
	s19 =	simm.s32 $0x8400  }
0x6: {  	v0 =	vlaneseq.u32;
	s20 =	simm.s32 $0x4;
	s21 =	simm.s32 $0x6;
	s22 =	simm.s32 $0xC700  }
0x7: {  	v1 =	vimm.s32 $0x0;
	vm0 =	vcmask $0x300;
	s23 =	simm.s32 $0x5;
	s24 =	simm.s32 $0x0;
	s1 =	sand.u32 $0x1, s1;
	v0 =	vmul.u32 $0x218, v0  }
0x8: {  	[smem:$0x7FF] =	sst s3;
	s4 =	sshll.u32 s4, $0xA;
	s6 =	sadd.s32 $0x600, s0;
	v1 =	vsel vm0, $0x3, v1  }
.Ltmp0:
0x9: {  	s11 =	sadd.s32 $0x10600, s0;
	s5 =	sshll.u32 s1, $0x9;
	v2 =	vadd.s32 $0x2180, v0;
	v3 =	vor.u32 $0x1, v0;
	v4 =	vadd.s32 $0x2181, v0;
	(pc) =	sbr.rel .LBB2_1-.Ltmp0, $4  }
0xa: {  	_ =	strace $0x80000047;
	s1 =	ssub.s32 $0x2, s1;
	s4 =	sor.u32 s5, s4;
	v5 =	vor.u32 $0x2, v0;
	v6 =	vadd.s32 $0x2182, v0;
	v7 =	vor.u32 $0x3, v0  }
0xb: {  	s5 =	sadd.s32 $0xF42A00, s0;
	s8 =	sshrl.u32 s1, $0x1;
	v8 =	vadd.s32 $0x2183, v0;
	v9 =	vor.u32 $0x4, v0;
	v10 =	vadd.s32 $0x2184, v0;
	s7 =	sshrl.u32 s4, $0x3  }
0xc: {  	v11 =	vor.u32 $0x5, v0;
	v12 =	vadd.s32 $0x2185, v0;
	v13 =	vor.u32 $0x6, v0;
	s1 =	ssub.s32 s1, s8;
	s9 =	sor.u32 $0x8000, s4;
	s7 =	sadd.s32 s2, s7  }
0xd: {  	v14 =	vadd.s32 $0x2186, v0;
	v15 =	vor.u32 $0x7, v0;
	v16 =	vadd.s32 $0x2187, v0;
	s10 =	sor.u32 $0xC000, s4;
	s12 =	smax.u32 s1, $0x1;
	s8 =	sadd.s32 $0x800, s7  }
.LBB2_16:
0xe: {  	s24 =	sadd.s32 $0x1, s24  }
0xf: {  	_ =	swait.ge [sflag:s23], $0x4000;
	p0 =	sne.s32 s24, s12  }
.Ltmp1:
0x10: {  	[sflag:s23] =	ssyncset.done $0x0;
	(pc) =	sbr.rel @!p0 .LBB2_17-.Ltmp1, $4  }
0x11: {  	[sflag:s23] =	ssyncadd.s32 $0xFFFFC000  }
0x12: {  	_ =	swait.ge [sflag:s21], $0x4000  }
0x13: {  	[sflag:s21] =	ssyncset.done $0x0  }
0x14: {  	[sflag:s21] =	ssyncadd.s32 $0xFFFFC000  }
.LBB2_1:
0x15: {  	[tilespmem:s3], [sflag:$0x1] =	stream.linear.gather [hbm4b:s7+s3], $0x200, $0x38;
	[tilespmem:$0x10A00] =	vst v63  }
0x16: {  	_ =	swait.ge [sflag:s13], $0x200  }
0x17: {  	[sflag:s13] =	ssyncset.done $0x0  }
0x18: {  	[sflag:s13] =	ssyncadd.s32 $0xFFFFFE00  }
0x19: {  	[tilespmem:s15], [sflag:$0x3] =	stream.indirect.gather [hbm4b:s5+s14], $0x20, s3, s14, $0xb8;
	[tilespmem:$0x10A00] =	vst v63  }
0x1a: {  	s25 =	simm.s32 $0x0  }
0x1b: {  	[tilespmem:s14], [sflag:$0x2] =	stream.linear.gather [hbm4b:s8+s3], $0x200, $0x38;
	[tilespmem:$0x10A00] =	vst v63  }
.LBB2_2:
0x1c: {  	_ =	swait.ge [sflag:s16], $0x200  }
0x1d: {  	[sflag:s16] =	ssyncset.done $0x0  }
0x1e: {  	[sflag:s16] =	ssyncadd.s32 $0xFFFFFE00  }
0x1f: {  	[tilespmem:s17], [sflag:$0x4] =	stream.indirect.gather [hbm4b:s5+s14], $0x20, s14, s14, $0xb8;
	[tilespmem:$0x10A00] =	vst v63  }
0x20: {  	s0 =	simm.s32 $0x0;
	_ =	swait.ge [sflag:s18], $0x4000  }
0x21: {  	p0 =	seq.s32 s25, $0x0;
	v17 =	vmov s0;
	[sflag:s18] =	ssyncset.done $0x0  }
0x22: {  	s0 =	simm.s32 @!p0 $0x5;
	v17 =	vshrl.u32 v17, $0x3;
	[sflag:s18] =	ssyncadd.s32 $0xFFFFC000  }
0x23: {  	v17 =	vshll.u32 v17, v1;
	_ =	swait.ge @!p0 [sflag:s0], $0x4000  }
0x24: {  	v17 =	vbroadcast v17, $0x0;
	[sflag:s0] =	ssyncset.done @!p0 $0x0  }
0x25: {  	s28 =	simm.s32 $0x480;
	[sflag:s0] =	ssyncadd.s32 @!p0 $0xFFFFC000  }
0x26: {  	v19 =	vadd.s32 v0, v17;
	v18 =	vld [tilespmem:s28+$0xFFFFFF80];
	_ =	sdelay $0x4  }
0x27: {  	[tilespmem:v19+s19+$0x0] =	vst.idx.msk $0xffff, v18  }
0x28: {  	s31 =	simm.s32 $0x1;
	v17 =	vadd.s32 v2, v17;
	v18 =	vld [tilespmem:s28+$0xFFFFFF90]  }
0x29: {  	v19 =	vmov s31  }
0x2a: {  	v19 =	vshrl.u32 v19, $0x3  }
0x2b: {  	v19 =	vshll.u32 v19, v1  }
0x2c: {  	v19 =	vbroadcast v19, $0x0  }
0x2d: {  	[tilespmem:v17+s19+$0x0] =	vst.idx.msk $0xffff, v18  }
0x2e: {  	v18 =	vadd.s32 v3, v19;
	v17 =	vld [tilespmem:s28+$0xFFFFFFA0];
	_ =	sdelay $0x4  }
0x2f: {  	[tilespmem:v18+s19+$0x0] =	vst.idx.msk $0xffff, v17  }
0x30: {  	s1 =	simm.s32 $0x2;
	v18 =	vadd.s32 v4, v19;
	v17 =	vld [tilespmem:s28+$0xFFFFFFB0]  }
0x31: {  	v19 =	vmov s1  }
0x32: {  	v19 =	vshrl.u32 v19, $0x3  }
0x33: {  	v19 =	vshll.u32 v19, v1  }
0x34: {  	v19 =	vbroadcast v19, $0x0  }
0x35: {  	[tilespmem:v18+s19+$0x0] =	vst.idx.msk $0xffff, v17  }
0x36: {  	v18 =	vadd.s32 v5, v19;
	v17 =	vld [tilespmem:s28+$0xFFFFFFC0];
	_ =	sdelay $0x4  }
0x37: {  	[tilespmem:v18+s19+$0x0] =	vst.idx.msk $0xffff, v17  }
0x38: {  	s26 =	simm.s32 $0x3;
	v18 =	vadd.s32 v6, v19;
	v17 =	vld [tilespmem:s28+$0xFFFFFFD0]  }
0x39: {  	v19 =	vmov s26  }
0x3a: {  	v19 =	vshrl.u32 v19, $0x3  }
0x3b: {  	v19 =	vshll.u32 v19, v1  }
0x3c: {  	v19 =	vbroadcast v19, $0x0  }
0x3d: {  	[tilespmem:v18+s19+$0x0] =	vst.idx.msk $0xffff, v17  }
0x3e: {  	v18 =	vadd.s32 v7, v19;
	v17 =	vld [tilespmem:s28+$0xFFFFFFE0];
	_ =	sdelay $0x4  }
0x3f: {  	[tilespmem:v18+s19+$0x0] =	vst.idx.msk $0xffff, v17  }
0x40: {  	s31 =	simm.s32 $0x4;
	v18 =	vadd.s32 v8, v19;
	v17 =	vld [tilespmem:s28+$0xFFFFFFF0]  }
0x41: {  	v19 =	vmov s31  }
0x42: {  	v19 =	vshrl.u32 v19, $0x3  }
0x43: {  	v19 =	vshll.u32 v19, v1  }
0x44: {  	v19 =	vbroadcast v19, $0x0  }
0x45: {  	[tilespmem:v18+s19+$0x0] =	vst.idx.msk $0xffff, v17  }
0x46: {  	v18 =	vadd.s32 v9, v19;
	v17 =	vld [tilespmem:s28+$0x0];
	_ =	sdelay $0x4  }
0x47: {  	[tilespmem:v18+s19+$0x0] =	vst.idx.msk $0xffff, v17  }
0x48: {  	s1 =	simm.s32 $0x5;
	v18 =	vadd.s32 v10, v19;
	v17 =	vld [tilespmem:s28+$0x10]  }
0x49: {  	v19 =	vmov s1  }
0x4a: {  	v19 =	vshrl.u32 v19, $0x3  }
0x4b: {  	v19 =	vshll.u32 v19, v1  }
0x4c: {  	v19 =	vbroadcast v19, $0x0  }
0x4d: {  	[tilespmem:v18+s19+$0x0] =	vst.idx.msk $0xffff, v17  }
0x4e: {  	v18 =	vadd.s32 v11, v19;
	v17 =	vld [tilespmem:s28+$0x20];
	_ =	sdelay $0x4  }
0x4f: {  	[tilespmem:v18+s19+$0x0] =	vst.idx.msk $0xffff, v17  }
0x50: {  	s26 =	simm.s32 $0x6;
	v18 =	vadd.s32 v12, v19;
	v17 =	vld [tilespmem:s28+$0x30]  }
0x51: {  	v19 =	vmov s26  }
0x52: {  	v19 =	vshrl.u32 v19, $0x3  }
0x53: {  	v19 =	vshll.u32 v19, v1  }
0x54: {  	v19 =	vbroadcast v19, $0x0  }
0x55: {  	[tilespmem:v18+s19+$0x0] =	vst.idx.msk $0xffff, v17  }
0x56: {  	v18 =	vadd.s32 v13, v19;
	v17 =	vld [tilespmem:s28+$0x40];
	_ =	sdelay $0x4  }
0x57: {  	[tilespmem:v18+s19+$0x0] =	vst.idx.msk $0xffff, v17  }
0x58: {  	s31 =	simm.s32 $0x7;
	v18 =	vadd.s32 v14, v19;
	v17 =	vld [tilespmem:s28+$0x50]  }
0x59: {  	v19 =	vmov s31  }
0x5a: {  	v19 =	vshrl.u32 v19, $0x3  }
0x5b: {  	v19 =	vshll.u32 v19, v1  }
0x5c: {  	v19 =	vbroadcast v19, $0x0  }
0x5d: {  	[tilespmem:v18+s19+$0x0] =	vst.idx.msk $0xffff, v17  }
0x5e: {  	v18 =	vadd.s32 v15, v19;
	v17 =	vld [tilespmem:s28+$0x60];
	_ =	sdelay $0x4  }
0x5f: {  	[tilespmem:v18+s19+$0x0] =	vst.idx.msk $0xffff, v17  }
0x60: {  	s29 =	simm.s32 $0x8;
	v18 =	vadd.s32 v16, v19;
	v17 =	vld [tilespmem:s28+$0x70]  }
0x61: {  	s30 =	simm.s32 $0x10;
	s26 =	sshll.u32 s25, $0xF;
	v19 =	vmov s29  }
.LBB2_3:
0x62: {  	p1 =	slt.u32 s30, $0x1F8;
	v19 =	vshrl.u32 v19, $0x3  }
0x63: {  	v19 =	vshll.u32 v19, v1  }
0x64: {  	v19 =	vbroadcast v19, $0x0  }
0x65: {  	s28 =	sadd.s32 $0x100, s28;
	[tilespmem:v18+s19+$0x0] =	vst.idx.msk $0xffff, v17  }
0x66: {  	v17 =	vld [tilespmem:s28+$0xFFFFFF80];
	v18 =	vadd.s32 v0, v19;
	_ =	sdelay $0x4  }
0x67: {  	[tilespmem:v18+s19+$0x0] =	vst.idx.msk $0xffff, v17  }
0x68: {  	s0 =	sadd.s32 $0x1, s29;
	v18 =	vadd.s32 v2, v19;
	v17 =	vld [tilespmem:s28+$0xFFFFFF90]  }
0x69: {  	v19 =	vmov s0  }
0x6a: {  	v19 =	vshrl.u32 v19, $0x3  }
0x6b: {  	v19 =	vshll.u32 v19, v1  }
0x6c: {  	v19 =	vbroadcast v19, $0x0  }
0x6d: {  	[tilespmem:v18+s19+$0x0] =	vst.idx.msk $0xffff, v17  }
0x6e: {  	v18 =	vadd.s32 v3, v19;
	v17 =	vld [tilespmem:s28+$0xFFFFFFA0];
	_ =	sdelay $0x4  }
0x6f: {  	[tilespmem:v18+s19+$0x0] =	vst.idx.msk $0xffff, v17  }
0x70: {  	s0 =	sadd.s32 $0x2, s29;
	v18 =	vadd.s32 v4, v19;
	v17 =	vld [tilespmem:s28+$0xFFFFFFB0]  }
0x71: {  	v19 =	vmov s0  }
0x72: {  	v19 =	vshrl.u32 v19, $0x3  }
0x73: {  	v19 =	vshll.u32 v19, v1  }
0x74: {  	v19 =	vbroadcast v19, $0x0  }
0x75: {  	[tilespmem:v18+s19+$0x0] =	vst.idx.msk $0xffff, v17  }
0x76: {  	v18 =	vadd.s32 v5, v19;
	v17 =	vld [tilespmem:s28+$0xFFFFFFC0];
	_ =	sdelay $0x4  }
0x77: {  	[tilespmem:v18+s19+$0x0] =	vst.idx.msk $0xffff, v17  }
0x78: {  	s0 =	sadd.s32 $0x3, s29;
	v18 =	vadd.s32 v6, v19;
	v17 =	vld [tilespmem:s28+$0xFFFFFFD0]  }
0x79: {  	v19 =	vmov s0  }
0x7a: {  	v19 =	vshrl.u32 v19, $0x3  }
0x7b: {  	v19 =	vshll.u32 v19, v1  }
0x7c: {  	v19 =	vbroadcast v19, $0x0  }
0x7d: {  	[tilespmem:v18+s19+$0x0] =	vst.idx.msk $0xffff, v17  }
0x7e: {  	v18 =	vadd.s32 v7, v19;
	v17 =	vld [tilespmem:s28+$0xFFFFFFE0];
	_ =	sdelay $0x4  }
0x7f: {  	[tilespmem:v18+s19+$0x0] =	vst.idx.msk $0xffff, v17  }
0x80: {  	s0 =	sadd.s32 $0x4, s29;
	v18 =	vadd.s32 v8, v19;
	v17 =	vld [tilespmem:s28+$0xFFFFFFF0]  }
0x81: {  	v19 =	vmov s0  }
0x82: {  	v19 =	vshrl.u32 v19, $0x3  }
0x83: {  	v19 =	vshll.u32 v19, v1  }
0x84: {  	v19 =	vbroadcast v19, $0x0  }
0x85: {  	[tilespmem:v18+s19+$0x0] =	vst.idx.msk $0xffff, v17  }
0x86: {  	v18 =	vadd.s32 v9, v19;
	v17 =	vld [tilespmem:s28+$0x0];
	_ =	sdelay $0x4  }
0x87: {  	[tilespmem:v18+s19+$0x0] =	vst.idx.msk $0xffff, v17  }
0x88: {  	s0 =	sadd.s32 $0x5, s29;
	v18 =	vadd.s32 v10, v19;
	v17 =	vld [tilespmem:s28+$0x10]  }
0x89: {  	v19 =	vmov s0  }
0x8a: {  	v19 =	vshrl.u32 v19, $0x3  }
0x8b: {  	v19 =	vshll.u32 v19, v1  }
0x8c: {  	v19 =	vbroadcast v19, $0x0  }
0x8d: {  	[tilespmem:v18+s19+$0x0] =	vst.idx.msk $0xffff, v17  }
0x8e: {  	v18 =	vadd.s32 v11, v19;
	v17 =	vld [tilespmem:s28+$0x20];
	_ =	sdelay $0x4  }
0x8f: {  	[tilespmem:v18+s19+$0x0] =	vst.idx.msk $0xffff, v17  }
0x90: {  	s0 =	sadd.s32 $0x6, s29;
	v18 =	vadd.s32 v12, v19;
	v17 =	vld [tilespmem:s28+$0x30]  }
0x91: {  	v19 =	vmov s0  }
0x92: {  	v19 =	vshrl.u32 v19, $0x3  }
0x93: {  	v19 =	vshll.u32 v19, v1  }
0x94: {  	v19 =	vbroadcast v19, $0x0  }
0x95: {  	[tilespmem:v18+s19+$0x0] =	vst.idx.msk $0xffff, v17  }
0x96: {  	v18 =	vadd.s32 v13, v19;
	v17 =	vld [tilespmem:s28+$0x40];
	_ =	sdelay $0x4  }
0x97: {  	[tilespmem:v18+s19+$0x0] =	vst.idx.msk $0xffff, v17  }
0x98: {  	s0 =	sadd.s32 $0x7, s29;
	s29 =	smov.u32 s30;
	v18 =	vadd.s32 v14, v19;
	v17 =	vld [tilespmem:s28+$0x50]  }
0x99: {  	v19 =	vmov s0  }
0x9a: {  	v19 =	vshrl.u32 v19, $0x3  }
0x9b: {  	v19 =	vshll.u32 v19, v1  }
0x9c: {  	v19 =	vbroadcast v19, $0x0  }
0x9d: {  	[tilespmem:v18+s19+$0x0] =	vst.idx.msk $0xffff, v17  }
0x9e: {  	v18 =	vadd.s32 v15, v19;
	v17 =	vld [tilespmem:s28+$0x60];
	_ =	sdelay $0x2  }
.Ltmp2:
0x9f: {  	(pc) =	sbr.rel @p1 .LBB2_3-.Ltmp2, $4  }
0xa0: {  	_ = 	snop  }
0xa1: {  	[tilespmem:v18+s19+$0x0] =	vst.idx.msk $0xffff, v17  }
0xa2: {  	v18 =	vadd.s32 v16, v19;
	v17 =	vld [tilespmem:s28+$0x70]  }
0xa3: {  	s30 =	sadd.s32 $0x8, s30;
	v19 =	vmov s29  }
0xa4: {  	_ = 	snop  }
0xa5: {  	v19 =	vshrl.u32 v19, $0x3  }
0xa6: {  	v19 =	vshll.u32 v19, v1  }
0xa7: {  	v19 =	vbroadcast v19, $0x0  }
0xa8: {  	s28 =	sadd.s32 $0x100, s28;
	[tilespmem:v18+s19+$0x0] =	vst.idx.msk $0xffff, v17  }
0xa9: {  	v17 =	vld [tilespmem:s28+$0xFFFFFF80];
	v18 =	vadd.s32 v0, v19;
	_ =	sdelay $0x4  }
0xaa: {  	[tilespmem:v18+s19+$0x0] =	vst.idx.msk $0xffff, v17  }
0xab: {  	s0 =	sadd.s32 $0x1, s29;
	v18 =	vadd.s32 v2, v19;
	v17 =	vld [tilespmem:s28+$0xFFFFFF90]  }
0xac: {  	v19 =	vmov s0  }
0xad: {  	v19 =	vshrl.u32 v19, $0x3  }
0xae: {  	v19 =	vshll.u32 v19, v1  }
0xaf: {  	v19 =	vbroadcast v19, $0x0  }
0xb0: {  	[tilespmem:v18+s19+$0x0] =	vst.idx.msk $0xffff, v17  }
0xb1: {  	v18 =	vadd.s32 v3, v19;
	v17 =	vld [tilespmem:s28+$0xFFFFFFA0];
	_ =	sdelay $0x4  }
0xb2: {  	[tilespmem:v18+s19+$0x0] =	vst.idx.msk $0xffff, v17  }
0xb3: {  	s1 =	sadd.s32 $0x2, s29;
	v18 =	vadd.s32 v4, v19;
	v17 =	vld [tilespmem:s28+$0xFFFFFFB0]  }
0xb4: {  	v19 =	vmov s1  }
0xb5: {  	v19 =	vshrl.u32 v19, $0x3  }
0xb6: {  	v19 =	vshll.u32 v19, v1  }
0xb7: {  	v19 =	vbroadcast v19, $0x0  }
0xb8: {  	[tilespmem:v18+s19+$0x0] =	vst.idx.msk $0xffff, v17  }
0xb9: {  	v18 =	vadd.s32 v5, v19;
	v17 =	vld [tilespmem:s28+$0xFFFFFFC0];
	_ =	sdelay $0x4  }
0xba: {  	[tilespmem:v18+s19+$0x0] =	vst.idx.msk $0xffff, v17  }
0xbb: {  	s1 =	sadd.s32 $0x3, s29;
	v18 =	vadd.s32 v6, v19;
	v17 =	vld [tilespmem:s28+$0xFFFFFFD0]  }
0xbc: {  	v19 =	vmov s1  }
0xbd: {  	v19 =	vshrl.u32 v19, $0x3  }
0xbe: {  	v19 =	vshll.u32 v19, v1  }
0xbf: {  	v19 =	vbroadcast v19, $0x0  }
0xc0: {  	[tilespmem:v18+s19+$0x0] =	vst.idx.msk $0xffff, v17  }
0xc1: {  	v18 =	vadd.s32 v7, v19;
	v17 =	vld [tilespmem:s28+$0xFFFFFFE0];
	_ =	sdelay $0x4  }
0xc2: {  	[tilespmem:v18+s19+$0x0] =	vst.idx.msk $0xffff, v17  }
0xc3: {  	s1 =	sadd.s32 $0x4, s29;
	v18 =	vadd.s32 v8, v19;
	v17 =	vld [tilespmem:s28+$0xFFFFFFF0]  }
0xc4: {  	v19 =	vmov s1  }
0xc5: {  	v19 =	vshrl.u32 v19, $0x3  }
0xc6: {  	v19 =	vshll.u32 v19, v1  }
0xc7: {  	v19 =	vbroadcast v19, $0x0  }
0xc8: {  	[tilespmem:v18+s19+$0x0] =	vst.idx.msk $0xffff, v17  }
0xc9: {  	v18 =	vadd.s32 v9, v19;
	v17 =	vld [tilespmem:s28+$0x0];
	_ =	sdelay $0x4  }
0xca: {  	[tilespmem:v18+s19+$0x0] =	vst.idx.msk $0xffff, v17  }
0xcb: {  	s1 =	sadd.s32 $0x5, s29;
	v18 =	vadd.s32 v10, v19;
	v17 =	vld [tilespmem:s28+$0x10]  }
0xcc: {  	v19 =	vmov s1  }
0xcd: {  	v19 =	vshrl.u32 v19, $0x3  }
0xce: {  	v19 =	vshll.u32 v19, v1  }
0xcf: {  	v19 =	vbroadcast v19, $0x0  }
0xd0: {  	[tilespmem:v18+s19+$0x0] =	vst.idx.msk $0xffff, v17  }
0xd1: {  	v18 =	vadd.s32 v11, v19;
	v17 =	vld [tilespmem:s28+$0x20];
	_ =	sdelay $0x4  }
0xd2: {  	[tilespmem:v18+s19+$0x0] =	vst.idx.msk $0xffff, v17  }
0xd3: {  	s1 =	sadd.s32 $0x6, s29;
	v18 =	vadd.s32 v12, v19;
	v17 =	vld [tilespmem:s28+$0x30]  }
0xd4: {  	v19 =	vmov s1  }
0xd5: {  	v19 =	vshrl.u32 v19, $0x3  }
0xd6: {  	v19 =	vshll.u32 v19, v1  }
0xd7: {  	v19 =	vbroadcast v19, $0x0  }
0xd8: {  	[tilespmem:v18+s19+$0x0] =	vst.idx.msk $0xffff, v17  }
0xd9: {  	v18 =	vadd.s32 v13, v19;
	v17 =	vld [tilespmem:s28+$0x40];
	_ =	sdelay $0x4  }
0xda: {  	[tilespmem:v18+s19+$0x0] =	vst.idx.msk $0xffff, v17  }
0xdb: {  	s1 =	sadd.s32 $0x7, s29;
	v18 =	vadd.s32 v14, v19;
	v17 =	vld [tilespmem:s28+$0x50]  }
0xdc: {  	v19 =	vmov s1  }
0xdd: {  	v19 =	vshrl.u32 v19, $0x3  }
0xde: {  	v19 =	vshll.u32 v19, v1  }
0xdf: {  	v19 =	vbroadcast v19, $0x0  }
0xe0: {  	[tilespmem:v18+s19+$0x0] =	vst.idx.msk $0xffff, v17  }
0xe1: {  	v18 =	vadd.s32 v15, v19;
	v17 =	vld [tilespmem:s28+$0x60];
	_ =	sdelay $0x4  }
0xe2: {  	[tilespmem:v18+s19+$0x0] =	vst.idx.msk $0xffff, v17  }
0xe3: {  	v18 =	vadd.s32 v16, v19;
	v17 =	vld [tilespmem:s28+$0x70]  }
0xe4: {  	s1 =	sshll.u32 s25, $0x14  }
0xe5: {  	s0 =	sor.u32 s4, s1  }
0xe6: {  	s28 =	sshrl.u32 s0, $0x3  }
0xe7: {  	s30 =	simm.s32 $0x8400;
	s29 =	sadd.s32 s6, s28  }
0xe8: {  	s31 =	simm.s32 $0x800;
	s0 =	simm.s32 $0x8618;
	s1 =	sadd.s32 $0x0, s29;
	[tilespmem:v18+s19+$0x0] =	vst.idx.msk $0xffff, v17  }
.LBB2_5:
0xe9: {  	[hbm4b:s1+s3] =	stream.linear.scatter [tilespmem:s30], [sflag:$0x5], $0x200, $0x38;
	[tilespmem:$0x10A00] =	vst v63  }
0xea: {  	s1 =	smov.u32 s31;
	s30 =	smov.u32 s0;
	p1 =	sne.s32 s31, $0xF800  }
.Ltmp3:
0xeb: {  	s31 =	sadd.s32 $0x800, s31;
	(pc) =	sbr.rel @p1 .LBB2_5-.Ltmp3, $2  }
0xec: {  	_ =	sdelay $0x2  }
0xed: {  	s0 =	sadd.s32 $0x218, s0;
	s1 =	sadd.s32 s1, s29  }
0xee: {  	p1 =	sne.s32 s25, $0x18  }
.Ltmp4:
0xef: {  	_ = 	snop;
	(pc) =	sbr.rel @p1 .LBB2_8-.Ltmp4, $2  }
0xf0: {  	_ =	sdelay $0x2  }
0xf1: {  	[hbm4b:s1+s3] =	stream.linear.scatter [tilespmem:s30], [sflag:$0x5], $0x200, $0x38;
	[tilespmem:$0x10A00] =	vst v63  }
.Ltmp5:
0xf2: {  	(pc) =	sbr.rel .LBB2_9-.Ltmp5, $4  }
0xf3: {  	_ = 	snop  }
0xf4: {  	_ =	swait.ge [sflag:s20], $0x4000  }
0xf5: {  	[sflag:s20] =	ssyncset.done $0x0  }
0xf6: {  	[sflag:s20] =	ssyncadd.s32 $0xFFFFC000  }
.LBB2_8:
0xf7: {  	s0 =	sadd.s32 s9, s26  }
0xf8: {  	s0 =	sshrl.u32 s0, $0x3  }
0xf9: {  	s0 =	sadd.s32 s2, s0  }
0xfa: {  	[tilespmem:s3], [sflag:$0x1] =	stream.linear.gather [hbm4b:s0+s3], $0x200, $0x38;
	[tilespmem:$0x10A00] =	vst v63  }
0xfb: {  	_ =	swait.ge [sflag:s20], $0x4000  }
0xfc: {  	[sflag:s20] =	ssyncset.done $0x0  }
.Ltmp6:
0xfd: {  	[sflag:s20] =	ssyncadd.s32 $0xFFFFC000;
	(pc) =	sbr.rel @p0 .LBB2_10-.Ltmp6, $4  }
0xfe: {  	_ =	swait.ge [sflag:s13], $0x200  }
0xff: {  	[sflag:s13] =	ssyncset.done $0x0  }
0x100: {  	[sflag:s13] =	ssyncadd.s32 $0xFFFFFE00  }
0x101: {  	[tilespmem:s15], [sflag:$0x3] =	stream.indirect.gather [hbm4b:s5+s14], $0x20, s3, s14, $0xb8;
	[tilespmem:$0x10A00] =	vst v63  }
.LBB2_9:
0x102: {  	_ =	swait.ge [sflag:s21], $0x4000  }
0x103: {  	[sflag:s21] =	ssyncset.done $0x0  }
0x104: {  	[sflag:s21] =	ssyncadd.s32 $0xFFFFC000  }
.LBB2_10:
0x105: {  	s0 =	simm.s32 $0x0  }
0x106: {  	v17 =	vmov s0  }
0x107: {  	v17 =	vshrl.u32 v17, $0x3  }
0x108: {  	v17 =	vshll.u32 v17, v1  }
0x109: {  	v17 =	vbroadcast v17, $0x0  }
0x10a: {  	s29 =	simm.s32 $0x44F0  }
0x10b: {  	v18 =	vld [tilespmem:s29+$0xFFFFFF10];
	v19 =	vadd.s32 v0, v17;
	_ =	sdelay $0x4  }
0x10c: {  	[tilespmem:v19+s22+$0x0] =	vst.idx.msk $0xffff, v18  }
0x10d: {  	s1 =	simm.s32 $0x1;
	v17 =	vadd.s32 v2, v17;
	v18 =	vld [tilespmem:s29+$0xFFFFFF20]  }
0x10e: {  	v19 =	vmov s1  }
0x10f: {  	v19 =	vshrl.u32 v19, $0x3  }
0x110: {  	v19 =	vshll.u32 v19, v1  }
0x111: {  	v19 =	vbroadcast v19, $0x0  }
0x112: {  	[tilespmem:v17+s22+$0x0] =	vst.idx.msk $0xffff, v18  }
0x113: {  	v18 =	vadd.s32 v3, v19;
	v17 =	vld [tilespmem:s29+$0xFFFFFF30];
	_ =	sdelay $0x4  }
0x114: {  	[tilespmem:v18+s22+$0x0] =	vst.idx.msk $0xffff, v17  }
0x115: {  	s1 =	simm.s32 $0x2;
	v18 =	vadd.s32 v4, v19;
	v17 =	vld [tilespmem:s29+$0xFFFFFF40]  }
0x116: {  	v19 =	vmov s1  }
0x117: {  	v19 =	vshrl.u32 v19, $0x3  }
0x118: {  	v19 =	vshll.u32 v19, v1  }
0x119: {  	v19 =	vbroadcast v19, $0x0  }
0x11a: {  	[tilespmem:v18+s22+$0x0] =	vst.idx.msk $0xffff, v17  }
0x11b: {  	v18 =	vadd.s32 v5, v19;
	v17 =	vld [tilespmem:s29+$0xFFFFFF50];
	_ =	sdelay $0x4  }
0x11c: {  	[tilespmem:v18+s22+$0x0] =	vst.idx.msk $0xffff, v17  }
0x11d: {  	s1 =	simm.s32 $0x3;
	v18 =	vadd.s32 v6, v19;
	v17 =	vld [tilespmem:s29+$0xFFFFFF60]  }
0x11e: {  	v19 =	vmov s1  }
0x11f: {  	v19 =	vshrl.u32 v19, $0x3  }
0x120: {  	v19 =	vshll.u32 v19, v1  }
0x121: {  	v19 =	vbroadcast v19, $0x0  }
0x122: {  	[tilespmem:v18+s22+$0x0] =	vst.idx.msk $0xffff, v17  }
0x123: {  	v18 =	vadd.s32 v7, v19;
	v17 =	vld [tilespmem:s29+$0xFFFFFF70];
	_ =	sdelay $0x4  }
0x124: {  	[tilespmem:v18+s22+$0x0] =	vst.idx.msk $0xffff, v17  }
0x125: {  	s1 =	simm.s32 $0x4;
	v18 =	vadd.s32 v8, v19;
	v17 =	vld [tilespmem:s29+$0xFFFFFF80]  }
0x126: {  	v19 =	vmov s1  }
0x127: {  	v19 =	vshrl.u32 v19, $0x3  }
0x128: {  	v19 =	vshll.u32 v19, v1  }
0x129: {  	v19 =	vbroadcast v19, $0x0  }
0x12a: {  	[tilespmem:v18+s22+$0x0] =	vst.idx.msk $0xffff, v17  }
0x12b: {  	v18 =	vadd.s32 v9, v19;
	v17 =	vld [tilespmem:s29+$0xFFFFFF90];
	_ =	sdelay $0x4  }
0x12c: {  	[tilespmem:v18+s22+$0x0] =	vst.idx.msk $0xffff, v17  }
0x12d: {  	s1 =	simm.s32 $0x5;
	v18 =	vadd.s32 v10, v19;
	v17 =	vld [tilespmem:s29+$0xFFFFFFA0]  }
0x12e: {  	v19 =	vmov s1  }
0x12f: {  	v19 =	vshrl.u32 v19, $0x3  }
0x130: {  	v19 =	vshll.u32 v19, v1  }
0x131: {  	v19 =	vbroadcast v19, $0x0  }
0x132: {  	[tilespmem:v18+s22+$0x0] =	vst.idx.msk $0xffff, v17  }
0x133: {  	v18 =	vadd.s32 v11, v19;
	v17 =	vld [tilespmem:s29+$0xFFFFFFB0];
	_ =	sdelay $0x4  }
0x134: {  	[tilespmem:v18+s22+$0x0] =	vst.idx.msk $0xffff, v17  }
0x135: {  	s1 =	simm.s32 $0x6;
	v18 =	vadd.s32 v12, v19;
	v17 =	vld [tilespmem:s29+$0xFFFFFFC0]  }
0x136: {  	v19 =	vmov s1  }
0x137: {  	v19 =	vshrl.u32 v19, $0x3  }
0x138: {  	v19 =	vshll.u32 v19, v1  }
0x139: {  	v19 =	vbroadcast v19, $0x0  }
0x13a: {  	[tilespmem:v18+s22+$0x0] =	vst.idx.msk $0xffff, v17  }
0x13b: {  	v18 =	vadd.s32 v13, v19;
	v17 =	vld [tilespmem:s29+$0xFFFFFFD0];
	_ =	sdelay $0x4  }
0x13c: {  	[tilespmem:v18+s22+$0x0] =	vst.idx.msk $0xffff, v17  }
0x13d: {  	s1 =	simm.s32 $0x7;
	v18 =	vadd.s32 v14, v19;
	v17 =	vld [tilespmem:s29+$0xFFFFFFE0]  }
0x13e: {  	v19 =	vmov s1  }
0x13f: {  	v19 =	vshrl.u32 v19, $0x3  }
0x140: {  	v19 =	vshll.u32 v19, v1  }
0x141: {  	v19 =	vbroadcast v19, $0x0  }
0x142: {  	[tilespmem:v18+s22+$0x0] =	vst.idx.msk $0xffff, v17  }
0x143: {  	v18 =	vadd.s32 v15, v19;
	v17 =	vld [tilespmem:s29+$0xFFFFFFF0];
	_ =	sdelay $0x4  }
0x144: {  	[tilespmem:v18+s22+$0x0] =	vst.idx.msk $0xffff, v17  }
0x145: {  	s30 =	simm.s32 $0x8;
	v18 =	vadd.s32 v16, v19;
	v17 =	vld [tilespmem:s29+$0x0]  }
0x146: {  	s31 =	simm.s32 $0x10;
	v19 =	vmov s30  }
.LBB2_11:
0x147: {  	p0 =	slt.u32 s31, $0x1F8;
	v19 =	vshrl.u32 v19, $0x3  }
0x148: {  	v19 =	vshll.u32 v19, v1  }
0x149: {  	v19 =	vbroadcast v19, $0x0  }
0x14a: {  	s29 =	sadd.s32 $0x100, s29;
	[tilespmem:v18+s22+$0x0] =	vst.idx.msk $0xffff, v17  }
0x14b: {  	v17 =	vld [tilespmem:s29+$0xFFFFFF10];
	v18 =	vadd.s32 v0, v19;
	_ =	sdelay $0x4  }
0x14c: {  	[tilespmem:v18+s22+$0x0] =	vst.idx.msk $0xffff, v17  }
0x14d: {  	s0 =	sadd.s32 $0x1, s30;
	v18 =	vadd.s32 v2, v19;
	v17 =	vld [tilespmem:s29+$0xFFFFFF20]  }
0x14e: {  	v19 =	vmov s0  }
0x14f: {  	v19 =	vshrl.u32 v19, $0x3  }
0x150: {  	v19 =	vshll.u32 v19, v1  }
0x151: {  	v19 =	vbroadcast v19, $0x0  }
0x152: {  	[tilespmem:v18+s22+$0x0] =	vst.idx.msk $0xffff, v17  }
0x153: {  	v18 =	vadd.s32 v3, v19;
	v17 =	vld [tilespmem:s29+$0xFFFFFF30];
	_ =	sdelay $0x4  }
0x154: {  	[tilespmem:v18+s22+$0x0] =	vst.idx.msk $0xffff, v17  }
0x155: {  	s0 =	sadd.s32 $0x2, s30;
	v18 =	vadd.s32 v4, v19;
	v17 =	vld [tilespmem:s29+$0xFFFFFF40]  }
0x156: {  	v19 =	vmov s0  }
0x157: {  	v19 =	vshrl.u32 v19, $0x3  }
0x158: {  	v19 =	vshll.u32 v19, v1  }
0x159: {  	v19 =	vbroadcast v19, $0x0  }
0x15a: {  	[tilespmem:v18+s22+$0x0] =	vst.idx.msk $0xffff, v17  }
0x15b: {  	v18 =	vadd.s32 v5, v19;
	v17 =	vld [tilespmem:s29+$0xFFFFFF50];
	_ =	sdelay $0x4  }
0x15c: {  	[tilespmem:v18+s22+$0x0] =	vst.idx.msk $0xffff, v17  }
0x15d: {  	s0 =	sadd.s32 $0x3, s30;
	v18 =	vadd.s32 v6, v19;
	v17 =	vld [tilespmem:s29+$0xFFFFFF60]  }
0x15e: {  	v19 =	vmov s0  }
0x15f: {  	v19 =	vshrl.u32 v19, $0x3  }
0x160: {  	v19 =	vshll.u32 v19, v1  }
0x161: {  	v19 =	vbroadcast v19, $0x0  }
0x162: {  	[tilespmem:v18+s22+$0x0] =	vst.idx.msk $0xffff, v17  }
0x163: {  	v18 =	vadd.s32 v7, v19;
	v17 =	vld [tilespmem:s29+$0xFFFFFF70];
	_ =	sdelay $0x4  }
0x164: {  	[tilespmem:v18+s22+$0x0] =	vst.idx.msk $0xffff, v17  }
0x165: {  	s0 =	sadd.s32 $0x4, s30;
	v18 =	vadd.s32 v8, v19;
	v17 =	vld [tilespmem:s29+$0xFFFFFF80]  }
0x166: {  	v19 =	vmov s0  }
0x167: {  	v19 =	vshrl.u32 v19, $0x3  }
0x168: {  	v19 =	vshll.u32 v19, v1  }
0x169: {  	v19 =	vbroadcast v19, $0x0  }
0x16a: {  	[tilespmem:v18+s22+$0x0] =	vst.idx.msk $0xffff, v17  }
0x16b: {  	v18 =	vadd.s32 v9, v19;
	v17 =	vld [tilespmem:s29+$0xFFFFFF90];
	_ =	sdelay $0x4  }
0x16c: {  	[tilespmem:v18+s22+$0x0] =	vst.idx.msk $0xffff, v17  }
0x16d: {  	s0 =	sadd.s32 $0x5, s30;
	v18 =	vadd.s32 v10, v19;
	v17 =	vld [tilespmem:s29+$0xFFFFFFA0]  }
0x16e: {  	v19 =	vmov s0  }
0x16f: {  	v19 =	vshrl.u32 v19, $0x3  }
0x170: {  	v19 =	vshll.u32 v19, v1  }
0x171: {  	v19 =	vbroadcast v19, $0x0  }
0x172: {  	[tilespmem:v18+s22+$0x0] =	vst.idx.msk $0xffff, v17  }
0x173: {  	v18 =	vadd.s32 v11, v19;
	v17 =	vld [tilespmem:s29+$0xFFFFFFB0];
	_ =	sdelay $0x4  }
0x174: {  	[tilespmem:v18+s22+$0x0] =	vst.idx.msk $0xffff, v17  }
0x175: {  	s0 =	sadd.s32 $0x6, s30;
	v18 =	vadd.s32 v12, v19;
	v17 =	vld [tilespmem:s29+$0xFFFFFFC0]  }
0x176: {  	v19 =	vmov s0  }
0x177: {  	v19 =	vshrl.u32 v19, $0x3  }
0x178: {  	v19 =	vshll.u32 v19, v1  }
0x179: {  	v19 =	vbroadcast v19, $0x0  }
0x17a: {  	[tilespmem:v18+s22+$0x0] =	vst.idx.msk $0xffff, v17  }
0x17b: {  	v18 =	vadd.s32 v13, v19;
	v17 =	vld [tilespmem:s29+$0xFFFFFFD0];
	_ =	sdelay $0x4  }
0x17c: {  	[tilespmem:v18+s22+$0x0] =	vst.idx.msk $0xffff, v17  }
0x17d: {  	s0 =	sadd.s32 $0x7, s30;
	s30 =	smov.u32 s31;
	v18 =	vadd.s32 v14, v19;
	v17 =	vld [tilespmem:s29+$0xFFFFFFE0]  }
0x17e: {  	v19 =	vmov s0  }
0x17f: {  	v19 =	vshrl.u32 v19, $0x3  }
0x180: {  	v19 =	vshll.u32 v19, v1  }
0x181: {  	v19 =	vbroadcast v19, $0x0  }
0x182: {  	[tilespmem:v18+s22+$0x0] =	vst.idx.msk $0xffff, v17  }
0x183: {  	v18 =	vadd.s32 v15, v19;
	v17 =	vld [tilespmem:s29+$0xFFFFFFF0];
	_ =	sdelay $0x2  }
.Ltmp7:
0x184: {  	(pc) =	sbr.rel @p0 .LBB2_11-.Ltmp7, $4  }
0x185: {  	_ = 	snop  }
0x186: {  	[tilespmem:v18+s22+$0x0] =	vst.idx.msk $0xffff, v17  }
0x187: {  	v18 =	vadd.s32 v16, v19;
	v17 =	vld [tilespmem:s29+$0x0]  }
0x188: {  	s31 =	sadd.s32 $0x8, s31;
	v19 =	vmov s30  }
0x189: {  	_ = 	snop  }
0x18a: {  	v19 =	vshrl.u32 v19, $0x3  }
0x18b: {  	v19 =	vshll.u32 v19, v1  }
0x18c: {  	v19 =	vbroadcast v19, $0x0  }
0x18d: {  	s29 =	sadd.s32 $0x100, s29;
	[tilespmem:v18+s22+$0x0] =	vst.idx.msk $0xffff, v17  }
0x18e: {  	v17 =	vld [tilespmem:s29+$0xFFFFFF10];
	v18 =	vadd.s32 v0, v19;
	_ =	sdelay $0x4  }
0x18f: {  	[tilespmem:v18+s22+$0x0] =	vst.idx.msk $0xffff, v17  }
0x190: {  	s0 =	sadd.s32 $0x1, s30;
	v18 =	vadd.s32 v2, v19;
	v17 =	vld [tilespmem:s29+$0xFFFFFF20]  }
0x191: {  	v19 =	vmov s0  }
0x192: {  	v19 =	vshrl.u32 v19, $0x3  }
0x193: {  	v19 =	vshll.u32 v19, v1  }
0x194: {  	v19 =	vbroadcast v19, $0x0  }
0x195: {  	[tilespmem:v18+s22+$0x0] =	vst.idx.msk $0xffff, v17  }
0x196: {  	v18 =	vadd.s32 v3, v19;
	v17 =	vld [tilespmem:s29+$0xFFFFFF30];
	_ =	sdelay $0x4  }
0x197: {  	[tilespmem:v18+s22+$0x0] =	vst.idx.msk $0xffff, v17  }
0x198: {  	s1 =	sadd.s32 $0x2, s30;
	v18 =	vadd.s32 v4, v19;
	v17 =	vld [tilespmem:s29+$0xFFFFFF40]  }
0x199: {  	v19 =	vmov s1  }
0x19a: {  	v19 =	vshrl.u32 v19, $0x3  }
0x19b: {  	v19 =	vshll.u32 v19, v1  }
0x19c: {  	v19 =	vbroadcast v19, $0x0  }
0x19d: {  	[tilespmem:v18+s22+$0x0] =	vst.idx.msk $0xffff, v17  }
0x19e: {  	v18 =	vadd.s32 v5, v19;
	v17 =	vld [tilespmem:s29+$0xFFFFFF50];
	_ =	sdelay $0x4  }
0x19f: {  	[tilespmem:v18+s22+$0x0] =	vst.idx.msk $0xffff, v17  }
0x1a0: {  	s31 =	sadd.s32 $0x3, s30;
	v18 =	vadd.s32 v6, v19;
	v17 =	vld [tilespmem:s29+$0xFFFFFF60]  }
0x1a1: {  	v19 =	vmov s31  }
0x1a2: {  	v19 =	vshrl.u32 v19, $0x3  }
0x1a3: {  	v19 =	vshll.u32 v19, v1  }
0x1a4: {  	v19 =	vbroadcast v19, $0x0  }
0x1a5: {  	[tilespmem:v18+s22+$0x0] =	vst.idx.msk $0xffff, v17  }
0x1a6: {  	v18 =	vadd.s32 v7, v19;
	v17 =	vld [tilespmem:s29+$0xFFFFFF70];
	_ =	sdelay $0x4  }
0x1a7: {  	[tilespmem:v18+s22+$0x0] =	vst.idx.msk $0xffff, v17  }
0x1a8: {  	s1 =	sadd.s32 $0x4, s30;
	v18 =	vadd.s32 v8, v19;
	v17 =	vld [tilespmem:s29+$0xFFFFFF80]  }
0x1a9: {  	v19 =	vmov s1  }
0x1aa: {  	v19 =	vshrl.u32 v19, $0x3  }
0x1ab: {  	v19 =	vshll.u32 v19, v1  }
0x1ac: {  	v19 =	vbroadcast v19, $0x0  }
0x1ad: {  	[tilespmem:v18+s22+$0x0] =	vst.idx.msk $0xffff, v17  }
0x1ae: {  	v18 =	vadd.s32 v9, v19;
	v17 =	vld [tilespmem:s29+$0xFFFFFF90];
	_ =	sdelay $0x4  }
0x1af: {  	[tilespmem:v18+s22+$0x0] =	vst.idx.msk $0xffff, v17  }
0x1b0: {  	s31 =	sadd.s32 $0x5, s30;
	v18 =	vadd.s32 v10, v19;
	v17 =	vld [tilespmem:s29+$0xFFFFFFA0]  }
0x1b1: {  	v19 =	vmov s31  }
0x1b2: {  	v19 =	vshrl.u32 v19, $0x3  }
0x1b3: {  	v19 =	vshll.u32 v19, v1  }
0x1b4: {  	v19 =	vbroadcast v19, $0x0  }
0x1b5: {  	[tilespmem:v18+s22+$0x0] =	vst.idx.msk $0xffff, v17  }
0x1b6: {  	v18 =	vadd.s32 v11, v19;
	v17 =	vld [tilespmem:s29+$0xFFFFFFB0];
	_ =	sdelay $0x4  }
0x1b7: {  	[tilespmem:v18+s22+$0x0] =	vst.idx.msk $0xffff, v17  }
0x1b8: {  	s1 =	sadd.s32 $0x6, s30;
	v18 =	vadd.s32 v12, v19;
	v17 =	vld [tilespmem:s29+$0xFFFFFFC0]  }
0x1b9: {  	v19 =	vmov s1  }
0x1ba: {  	v19 =	vshrl.u32 v19, $0x3  }
0x1bb: {  	v19 =	vshll.u32 v19, v1  }
0x1bc: {  	v19 =	vbroadcast v19, $0x0  }
0x1bd: {  	[tilespmem:v18+s22+$0x0] =	vst.idx.msk $0xffff, v17  }
0x1be: {  	v18 =	vadd.s32 v13, v19;
	v17 =	vld [tilespmem:s29+$0xFFFFFFD0];
	_ =	sdelay $0x4  }
0x1bf: {  	[tilespmem:v18+s22+$0x0] =	vst.idx.msk $0xffff, v17  }
0x1c0: {  	s31 =	sadd.s32 $0x7, s30;
	v18 =	vadd.s32 v14, v19;
	v17 =	vld [tilespmem:s29+$0xFFFFFFE0]  }
0x1c1: {  	v19 =	vmov s31  }
0x1c2: {  	v19 =	vshrl.u32 v19, $0x3  }
0x1c3: {  	v19 =	vshll.u32 v19, v1  }
0x1c4: {  	v19 =	vbroadcast v19, $0x0  }
0x1c5: {  	[tilespmem:v18+s22+$0x0] =	vst.idx.msk $0xffff, v17  }
0x1c6: {  	v18 =	vadd.s32 v15, v19;
	v17 =	vld [tilespmem:s29+$0xFFFFFFF0];
	_ =	sdelay $0x4  }
0x1c7: {  	[tilespmem:v18+s22+$0x0] =	vst.idx.msk $0xffff, v17  }
0x1c8: {  	v18 =	vadd.s32 v16, v19;
	v17 =	vld [tilespmem:s29+$0x0];
	_ =	sdelay $0x3  }
0x1c9: {  	s28 =	sadd.s32 s28, s11;
	s0 =	simm.s32 $0xC918  }
0x1ca: {  	s30 =	simm.s32 $0x800;
	s1 =	sadd.s32 $0x0, s28;
	s29 =	simm.s32 $0xC700;
	[tilespmem:v18+s22+$0x0] =	vst.idx.msk $0xffff, v17  }
.LBB2_13:
0x1cb: {  	[hbm4b:s1+s3] =	stream.linear.scatter [tilespmem:s29], [sflag:$0x6], $0x200, $0x38;
	[tilespmem:$0x10A00] =	vst v63  }
0x1cc: {  	s1 =	smov.u32 s30;
	s29 =	smov.u32 s0;
	p0 =	sne.s32 s30, $0xF800  }
.Ltmp8:
0x1cd: {  	s30 =	sadd.s32 $0x800, s30;
	(pc) =	sbr.rel @p0 .LBB2_13-.Ltmp8, $2  }
0x1ce: {  	_ =	sdelay $0x2  }
0x1cf: {  	s0 =	sadd.s32 $0x218, s0;
	s1 =	sadd.s32 s1, s28  }
0x1d0: {  	p0 =	seq.s32 s25, $0x18  }
.Ltmp9:
0x1d1: {  	_ = 	snop;
	(pc) =	sbr.rel @p0 .LBB2_16-.Ltmp9, $2  }
0x1d2: {  	_ =	sdelay $0x2  }
0x1d3: {  	[hbm4b:s1+s3] =	stream.linear.scatter [tilespmem:s29], [sflag:$0x6], $0x200, $0x38;
	[tilespmem:$0x10A00] =	vst v63  }
.Ltmp10:
0x1d4: {  	(pc) =	sbr.rel .LBB2_2-.Ltmp10, $4  }
0x1d5: {  	s0 =	sadd.s32 s10, s26  }
0x1d6: {  	s0 =	sshrl.u32 s0, $0x3  }
0x1d7: {  	s25 =	sadd.s32 $0x1, s25;
	s0 =	sadd.s32 s2, s0  }
0x1d8: {  	[tilespmem:s14], [sflag:$0x2] =	stream.linear.gather [hbm4b:s0+s3], $0x200, $0x38;
	[tilespmem:$0x10A00] =	vst v63  }
.LBB2_17:
0x1d9: {  	_ =	sfence.sel $0x180000  }
0x1da: {  	[bflag:$0x0] =	sbarrier.arrive $0xFFFF  }
0x1db: {  	_ =	strace $0x90000047  }
0x1dc: {  	s0 =	stileid.u32;
	[bflag:$0x2] =	sbarrier.arrive $0xFFFF  }
0x1dd: {  	p0 =	sne.s32 s0, $0x0;
	s0 =	rddreg [dreg:$0x2]  }
0x1de: {  	s0 =	sadd.s32 @!p0 $0x100000, s0  }
0x1df: {  	[sflag:s0] =	ssyncadd.tile.s32 @!p0 $0x1;
	_ =	shalt  }
.Lfunc_end2:
_tile_overlayer_lowered:
.L_overlay_start_2:
0x1e0: {  	(tag) =	ssettag $0x2  }
0x1e1: {  	s0 =	rddreg [dreg:$0x0];
	s2 =	stileid.u32  }
0x1e2: {  	s1 =	rddreg [dreg:$0x1];
	p0 =	sne.s32 s2, $0x0  }
0x1e3: {  	s3 =	rddreg [dreg:$0x2];
	[bflag:$0x3] =	sbarrier.arrive $0xFFFF;
	s2 =	simm.s32 @!p0 $0x1C07  }
0x1e4: {  	[timem:s3], [sflag:s2] =	dma.local @!p0 [hbm:s0], s1  }
0x1e5: {  	s0 =	simm.s32 @!p0 $0x7  }
0x1e6: {  	_ =	swait.ge @!p0 [sflag:s0], s1  }
0x1e7: {  	s1 =	ssub.s32 @!p0 $0x0, s1;
	[sflag:s0] =	ssyncset.done @!p0 $0x0  }
0x1e8: {  	[sflag:s0] =	ssyncadd.s32 @!p0 s1  }
0x1e9: {  	[bflag:$0x3] =	sbarrier.arrive $0xFFFF  }
0x1ea: {  	_ =	shalt  }

</sc_bundles>
